<compile_context>
chip_gen: v7x
topology: tpu7x:2x2x1
jax: 0.10.2.dev20260603
libtpu: 0.0.44.dev20260713+nightly
codegen_flags: <defaults>
</compile_context>

<pallas_src>
import jax
import jax.numpy as jnp
from jax import lax
from jax.experimental import pallas as pl
from jax.experimental.pallas import tpu as pltpu
from jax.experimental.pallas import tpu_sc as plsc

BATCH = 16
N_IN = 480000
N_OUT = 160000
HALF_OUT = N_OUT // 2
CHUNK_OUT = 32000
CHUNK_IN = 3 * CHUNK_OUT
CHUNKS = (32000, 32000, 16000)
LANES = 16


def _sc_kernel(wav_hbm, out_hbm, in_v, out_v):
    nc = plsc.get_sparse_core_info().num_cores
    wid = lax.axis_index("s") * nc + lax.axis_index("c")
    row = wid // 2
    half = wid % 2
    out_base = half * HALF_OUT

    lane3 = 3 * lax.iota(jnp.int32, LANES)

    for c, width in enumerate(CHUNKS):
        out_off = out_base + sum(CHUNKS[:c])
        in_off = 3 * out_off
        pltpu.sync_copy(wav_hbm.at[row, pl.ds(in_off, 3 * width)],
                        in_v.at[pl.ds(0, 3 * width)])

        @plsc.parallel_loop(0, width, step=LANES, unroll=16)
        def _(i):
            out_v[pl.ds(i, LANES)] = plsc.load_gather(in_v, [lane3 + 3 * i])

        pltpu.sync_copy(out_v.at[pl.ds(0, width)],
                        out_hbm.at[row, pl.ds(out_off, width)])


@jax.jit
def _resample(wav):
    mesh = plsc.VectorSubcoreMesh(core_axis_name="c", subcore_axis_name="s")
    return pl.kernel(
        _sc_kernel,
        mesh=mesh,
        out_type=jax.ShapeDtypeStruct((BATCH, N_OUT), jnp.float32),
        scratch_types=[
            pltpu.VMEM((CHUNK_IN,), jnp.float32),
            pltpu.VMEM((CHUNK_OUT,), jnp.float32),
        ],
        compiler_params=pltpu.CompilerParams(needs_layout_passes=False),
    )(wav)


def kernel(wav):
    wav = wav.reshape(wav.shape[0], -1)
    return _resample(wav)

# --- scband reference (transcript-rebuilt; emitter-appended) ---
"""Pipeline reference for scband-change-sample-rate-4758823764171 (READ-ONLY COPY).

The authoritative reference and input builder live on the scoring server;
editing this copy changes nothing except your own understanding.
"""

import jax, jax.numpy as jnp
import numpy as np

INPUT_RATE = 48000
OUTPUT_RATE = 16000


def setup_inputs(seed: int = 0) -> dict:
    key = jax.random.key(seed)
    wav = jax.random.normal(key, (16, 480000), dtype=jnp.float32)
    return {"wav": wav}


def reference(wav):
    wav = wav.reshape(wav.shape[0], -1)
    n = wav.shape[-1]
    new_length = n * OUTPUT_RATE // INPUT_RATE
    indices = jnp.arange(new_length, dtype=jnp.float32) * (INPUT_RATE / OUTPUT_RATE)
    idx = indices.astype(jnp.int32)
    round_down = wav[:, idx]
    round_up = wav[:, jnp.clip(idx + 1, 0, n - 1)]
    frac = jnp.mod(indices, 1.0)
    output = round_down * (1.0 - frac)[None, :] + round_up * frac[None, :]
    return output

if __name__ == "__main__":
    import jax
    _d = setup_inputs()
    print(jax.jit(kernel)(*tuple(_d.values())))

</pallas_src>

<mosaic_0001>
#map = affine_map<(d0, d1) -> (0, 0)>
module attributes {stable_mosaic.version = 14 : i64} {
  func.func @_sc_kernel(%arg0: i32, %arg1: i32, %arg2: memref<16x480000xf32, #tpu.memory_space<hbm>>, %arg3: memref<16x160000xf32, #tpu.memory_space<hbm>>, %arg4: memref<96000xf32, #tpu.memory_space<vmem>>, %arg5: memref<32000xf32, #tpu.memory_space<vmem>>) attributes {dimension_semantics = [#tpu.dimension_semantics<core_parallel>, #tpu.dimension_semantics<subcore_parallel>], iteration_bounds = array<i64: 2, 16>, scalar_prefetch = 0 : i64, scratch_operands = 2 : i64, tpu.core_type = #tpu.core_type<sc_vector_subcore>, window_params = [{transform_indices = #map}, {transform_indices = #map}]} {
    %mul3A = arith.constant 2 : i32
    %mul3A_0 = arith.muli %arg1, %mul3A : i32
    %add3A = arith.addi %mul3A_0, %arg0 : i32
    %jit3A = arith.constant 2 : i32
    %div3A = arith.divsi %add3A, %jit3A : i32
    %sign3A = arith.constant 0 : i32
    %sign3A_1 = arith.cmpi sgt, %add3A, %sign3A : i32
    %sign3A_2 = arith.extui %sign3A_1 : i1 to i32
    %sign3A_3 = arith.constant 0 : i32
    %sign3A_4 = arith.cmpi slt, %add3A, %sign3A_3 : i32
    %sign3A_5 = arith.extui %sign3A_4 : i1 to i32
    %sign3A_6 = arith.subi %sign3A_2, %sign3A_5 : i32
    %sign3A_7 = arith.constant 0 : i32
    %sign3A_8 = arith.cmpi sgt, %jit3A, %sign3A_7 : i32
    %sign3A_9 = arith.extui %sign3A_8 : i1 to i32
    %sign3A_10 = arith.constant 0 : i32
    %sign3A_11 = arith.cmpi slt, %jit3A, %sign3A_10 : i32
    %sign3A_12 = arith.extui %sign3A_11 : i1 to i32
    %sign3A_13 = arith.subi %sign3A_9, %sign3A_12 : i32
    %ne3A = arith.cmpi ne, %sign3A_6, %sign3A_13 : i32
    %rem3A = arith.remsi %add3A, %jit3A : i32
    %ne3A_14 = arith.constant 0 : i32
    %ne3A_15 = arith.cmpi ne, %rem3A, %ne3A_14 : i32
    %and3A = arith.andi %ne3A, %ne3A_15 : i1
    %sub3A = arith.constant 1 : i32
    %sub3A_16 = arith.subi %div3A, %sub3A : i32
    %select_n3A = arith.select %and3A, %sub3A_16, %div3A : i32
    %jit3A_17 = arith.constant 2 : i32
    %eq3A = arith.constant 0 : i32
    %eq3A_18 = arith.cmpi eq, %jit3A_17, %eq3A : i32
    %jit3A_19 = arith.constant 1 : i32
    %select_n3A_20 = arith.select %eq3A_18, %jit3A_19, %jit3A_17 : i32
    %rem3A_21 = arith.remsi %add3A, %select_n3A_20 : i32
    %ne3A_22 = arith.constant 0 : i32
    %ne3A_23 = arith.cmpi ne, %rem3A_21, %ne3A_22 : i32
    %lt3A = arith.constant 0 : i32
    %lt3A_24 = arith.cmpi slt, %rem3A_21, %lt3A : i32
    %lt3A_25 = arith.constant 0 : i32
    %lt3A_26 = arith.cmpi slt, %select_n3A_20, %lt3A_25 : i32
    %ne3A_27 = arith.xori %lt3A_24, %lt3A_26 : i1
    %and3A_28 = arith.andi %ne3A_27, %ne3A_23 : i1
    %add3A_29 = arith.addi %rem3A_21, %select_n3A_20 : i32
    %select_n3A_30 = arith.select %and3A_28, %add3A_29, %rem3A_21 : i32
    %mul3A_31 = arith.constant 80000 : i32
    %mul3A_32 = arith.muli %select_n3A_30, %mul3A_31 : i32
    %iota3A = tpu.iota {dimensions = array<i32: 0>} : vector<16xi32>
    %mul3A_33 = arith.constant 3 : i32
    %mul3A_34 = vector.broadcast %mul3A_33 : i32 to vector<16xi32>
    %mul3A_35 = arith.muli %mul3A_34, %iota3A : vector<16xi32>
    %add3A_36 = arith.constant 0 : i32
    %add3A_37 = arith.addi %mul3A_32, %add3A_36 : i32
    %mul3A_38 = arith.constant 3 : i32
    %mul3A_39 = arith.muli %mul3A_38, %add3A_37 : i32
    "tpu.region"() ({
      %run_scoped3A = tpu.sem_alloc : memref<!tpu.dma_semaphore, #tpu.memory_space<semaphore_mem>>
      %dma_start3A = arith.constant 0 : i32
      %dma_start3A_56 = tpu.memref_slice %arg4[%dma_start3A] : memref<96000xf32, #tpu.memory_space<vmem>> -> memref<96000xf32, #tpu.memory_space<vmem>>
      %dma_start3A_57 = tpu.memref_slice %arg2[%select_n3A, %mul3A_39] : memref<16x480000xf32, #tpu.memory_space<hbm>> -> memref<1x96000xf32, #tpu.memory_space<hbm>>
      %dma_start3A_58 = tpu.memref_squeeze %dma_start3A_57 : memref<1x96000xf32, #tpu.memory_space<hbm>> -> memref<96000xf32, #tpu.memory_space<hbm>>
      %dma_start3A_59 = arith.constant 0 : i32
      %dma_start3A_60 = tpu.memref_slice %arg4[%dma_start3A_59] : memref<96000xf32, #tpu.memory_space<vmem>> -> memref<96000xf32, #tpu.memory_space<vmem>>
      %dma_start3A_61 = tpu.memref_slice %arg2[%select_n3A, %mul3A_39] : memref<16x480000xf32, #tpu.memory_space<hbm>> -> memref<1x96000xf32, #tpu.memory_space<hbm>>
      %dma_start3A_62 = tpu.memref_squeeze %dma_start3A_61 : memref<1x96000xf32, #tpu.memory_space<hbm>> -> memref<96000xf32, #tpu.memory_space<hbm>>
      tpu.enqueue_dma source(%dma_start3A_62 : memref<96000xf32, #tpu.memory_space<hbm>>) target(%dma_start3A_60 : memref<96000xf32, #tpu.memory_space<vmem>>) target_semaphore(%run_scoped3A : memref<!tpu.dma_semaphore, #tpu.memory_space<semaphore_mem>>)
      %dma_wait3A = arith.constant 0 : i32
      %dma_wait3A_63 = tpu.memref_slice %arg4[%dma_wait3A] : memref<96000xf32, #tpu.memory_space<vmem>> -> memref<96000xf32, #tpu.memory_space<vmem>>
      %dma_wait3A_64 = tpu.memref_slice %arg2[%select_n3A, %mul3A_39] : memref<16x480000xf32, #tpu.memory_space<hbm>> -> memref<1x96000xf32, #tpu.memory_space<hbm>>
      %dma_wait3A_65 = tpu.memref_squeeze %dma_wait3A_64 : memref<1x96000xf32, #tpu.memory_space<hbm>> -> memref<96000xf32, #tpu.memory_space<hbm>>
      %dma_wait3A_66 = arith.constant 0 : i32
      %dma_wait3A_67 = tpu.memref_slice %arg4[%dma_wait3A_66] : memref<96000xf32, #tpu.memory_space<vmem>> -> memref<96000xf32, #tpu.memory_space<vmem>>
      %dma_wait3A_68 = tpu.memref_slice %arg2[%select_n3A, %mul3A_39] : memref<16x480000xf32, #tpu.memory_space<hbm>> -> memref<1x96000xf32, #tpu.memory_space<hbm>>
      %dma_wait3A_69 = tpu.memref_squeeze %dma_wait3A_68 : memref<1x96000xf32, #tpu.memory_space<hbm>> -> memref<96000xf32, #tpu.memory_space<hbm>>
      tpu.wait_dma2 semaphore(%run_scoped3A : memref<!tpu.dma_semaphore, #tpu.memory_space<semaphore_mem>>) src(%dma_wait3A_69 : memref<96000xf32, #tpu.memory_space<hbm>>) dst(%dma_wait3A_67 : memref<96000xf32, #tpu.memory_space<vmem>>)
      tpu.yield
    }) : () -> ()
    %parallel_loop3A = arith.constant 0 : i32
    %parallel_loop3A_40 = arith.constant 32000 : i32
    %parallel_loop3A_41 = arith.constant 16 : i32
    scf.for %parallel_loop3A_56 = %parallel_loop3A to %parallel_loop3A_40 step %parallel_loop3A_41  : i32 {
      %parallel_loop3A_57 = arith.constant 3 : i32
      %parallel_loop3A_58 = arith.muli %parallel_loop3A_57, %parallel_loop3A_56 : i32
      %parallel_loop3A_59 = vector.broadcast %parallel_loop3A_58 : i32 to vector<16xi32>
      %parallel_loop3A_60 = arith.addi %mul3A_35, %parallel_loop3A_59 : vector<16xi32>
      %parallel_loop3A_61 = tpu.vector_load_idx %arg4[%parallel_loop3A_60] : memref<96000xf32, #tpu.memory_space<vmem>>[vector<16xi32>], vector<16xf32>,
      %parallel_loop3A_62 = arith.index_cast %parallel_loop3A_56 : i32 to index
      %parallel_loop3A_63 = tpu.vector_load %arg5[%parallel_loop3A_62] {strides = array<i32>} : memref<32000xf32, #tpu.memory_space<vmem>>, vector<16xf32>,
      tpu.vector_store %arg5[%parallel_loop3A_62], %parallel_loop3A_61 {strides = array<i32>} : memref<32000xf32, #tpu.memory_space<vmem>>, vector<16xf32>,
    } {sc.loop_unroll_factor = 16 : i64, sc.parallel_access}
    "tpu.region"() ({
      %run_scoped3A = tpu.sem_alloc : memref<!tpu.dma_semaphore, #tpu.memory_space<semaphore_mem>>
      %dma_start3A = arith.constant 0 : i32
      %dma_start3A_56 = tpu.memref_slice %arg5[%dma_start3A] : memref<32000xf32, #tpu.memory_space<vmem>> -> memref<32000xf32, #tpu.memory_space<vmem>>
      %dma_start3A_57 = tpu.memref_slice %arg3[%select_n3A, %add3A_37] : memref<16x160000xf32, #tpu.memory_space<hbm>> -> memref<1x32000xf32, #tpu.memory_space<hbm>>
      %dma_start3A_58 = tpu.memref_squeeze %dma_start3A_57 : memref<1x32000xf32, #tpu.memory_space<hbm>> -> memref<32000xf32, #tpu.memory_space<hbm>>
      %dma_start3A_59 = tpu.memref_slice %arg3[%select_n3A, %add3A_37] : memref<16x160000xf32, #tpu.memory_space<hbm>> -> memref<1x32000xf32, #tpu.memory_space<hbm>>
      %dma_start3A_60 = tpu.memref_squeeze %dma_start3A_59 : memref<1x32000xf32, #tpu.memory_space<hbm>> -> memref<32000xf32, #tpu.memory_space<hbm>>
      %dma_start3A_61 = arith.constant 0 : i32
      %dma_start3A_62 = tpu.memref_slice %arg5[%dma_start3A_61] : memref<32000xf32, #tpu.memory_space<vmem>> -> memref<32000xf32, #tpu.memory_space<vmem>>
      tpu.enqueue_dma source(%dma_start3A_62 : memref<32000xf32, #tpu.memory_space<vmem>>) target(%dma_start3A_60 : memref<32000xf32, #tpu.memory_space<hbm>>) target_semaphore(%run_scoped3A : memref<!tpu.dma_semaphore, #tpu.memory_space<semaphore_mem>>)
      %dma_wait3A = arith.constant 0 : i32
      %dma_wait3A_63 = tpu.memref_slice %arg5[%dma_wait3A] : memref<32000xf32, #tpu.memory_space<vmem>> -> memref<32000xf32, #tpu.memory_space<vmem>>
      %dma_wait3A_64 = tpu.memref_slice %arg3[%select_n3A, %add3A_37] : memref<16x160000xf32, #tpu.memory_space<hbm>> -> memref<1x32000xf32, #tpu.memory_space<hbm>>
      %dma_wait3A_65 = tpu.memref_squeeze %dma_wait3A_64 : memref<1x32000xf32, #tpu.memory_space<hbm>> -> memref<32000xf32, #tpu.memory_space<hbm>>
      %dma_wait3A_66 = tpu.memref_slice %arg3[%select_n3A, %add3A_37] : memref<16x160000xf32, #tpu.memory_space<hbm>> -> memref<1x32000xf32, #tpu.memory_space<hbm>>
      %dma_wait3A_67 = tpu.memref_squeeze %dma_wait3A_66 : memref<1x32000xf32, #tpu.memory_space<hbm>> -> memref<32000xf32, #tpu.memory_space<hbm>>
      %dma_wait3A_68 = arith.constant 0 : i32
      %dma_wait3A_69 = tpu.memref_slice %arg5[%dma_wait3A_68] : memref<32000xf32, #tpu.memory_space<vmem>> -> memref<32000xf32, #tpu.memory_space<vmem>>
      tpu.wait_dma2 semaphore(%run_scoped3A : memref<!tpu.dma_semaphore, #tpu.memory_space<semaphore_mem>>) src(%dma_wait3A_69 : memref<32000xf32, #tpu.memory_space<vmem>>) dst(%dma_wait3A_67 : memref<32000xf32, #tpu.memory_space<hbm>>)
      tpu.yield
    }) : () -> ()
    %add3A_42 = arith.constant 32000 : i32
    %add3A_43 = arith.addi %mul3A_32, %add3A_42 : i32
    %mul3A_44 = arith.constant 3 : i32
    %mul3A_45 = arith.muli %mul3A_44, %add3A_43 : i32
    "tpu.region"() ({
      %run_scoped3A = tpu.sem_alloc : memref<!tpu.dma_semaphore, #tpu.memory_space<semaphore_mem>>
      %dma_start3A = arith.constant 0 : i32
      %dma_start3A_56 = tpu.memref_slice %arg4[%dma_start3A] : memref<96000xf32, #tpu.memory_space<vmem>> -> memref<96000xf32, #tpu.memory_space<vmem>>
      %dma_start3A_57 = tpu.memref_slice %arg2[%select_n3A, %mul3A_45] : memref<16x480000xf32, #tpu.memory_space<hbm>> -> memref<1x96000xf32, #tpu.memory_space<hbm>>
      %dma_start3A_58 = tpu.memref_squeeze %dma_start3A_57 : memref<1x96000xf32, #tpu.memory_space<hbm>> -> memref<96000xf32, #tpu.memory_space<hbm>>
      %dma_start3A_59 = arith.constant 0 : i32
      %dma_start3A_60 = tpu.memref_slice %arg4[%dma_start3A_59] : memref<96000xf32, #tpu.memory_space<vmem>> -> memref<96000xf32, #tpu.memory_space<vmem>>
      %dma_start3A_61 = tpu.memref_slice %arg2[%select_n3A, %mul3A_45] : memref<16x480000xf32, #tpu.memory_space<hbm>> -> memref<1x96000xf32, #tpu.memory_space<hbm>>
      %dma_start3A_62 = tpu.memref_squeeze %dma_start3A_61 : memref<1x96000xf32, #tpu.memory_space<hbm>> -> memref<96000xf32, #tpu.memory_space<hbm>>
      tpu.enqueue_dma source(%dma_start3A_62 : memref<96000xf32, #tpu.memory_space<hbm>>) target(%dma_start3A_60 : memref<96000xf32, #tpu.memory_space<vmem>>) target_semaphore(%run_scoped3A : memref<!tpu.dma_semaphore, #tpu.memory_space<semaphore_mem>>)
      %dma_wait3A = arith.constant 0 : i32
      %dma_wait3A_63 = tpu.memref_slice %arg4[%dma_wait3A] : memref<96000xf32, #tpu.memory_space<vmem>> -> memref<96000xf32, #tpu.memory_space<vmem>>
      %dma_wait3A_64 = tpu.memref_slice %arg2[%select_n3A, %mul3A_45] : memref<16x480000xf32, #tpu.memory_space<hbm>> -> memref<1x96000xf32, #tpu.memory_space<hbm>>
      %dma_wait3A_65 = tpu.memref_squeeze %dma_wait3A_64 : memref<1x96000xf32, #tpu.memory_space<hbm>> -> memref<96000xf32, #tpu.memory_space<hbm>>
      %dma_wait3A_66 = arith.constant 0 : i32
      %dma_wait3A_67 = tpu.memref_slice %arg4[%dma_wait3A_66] : memref<96000xf32, #tpu.memory_space<vmem>> -> memref<96000xf32, #tpu.memory_space<vmem>>
      %dma_wait3A_68 = tpu.memref_slice %arg2[%select_n3A, %mul3A_45] : memref<16x480000xf32, #tpu.memory_space<hbm>> -> memref<1x96000xf32, #tpu.memory_space<hbm>>
      %dma_wait3A_69 = tpu.memref_squeeze %dma_wait3A_68 : memref<1x96000xf32, #tpu.memory_space<hbm>> -> memref<96000xf32, #tpu.memory_space<hbm>>
      tpu.wait_dma2 semaphore(%run_scoped3A : memref<!tpu.dma_semaphore, #tpu.memory_space<semaphore_mem>>) src(%dma_wait3A_69 : memref<96000xf32, #tpu.memory_space<hbm>>) dst(%dma_wait3A_67 : memref<96000xf32, #tpu.memory_space<vmem>>)
      tpu.yield
    }) : () -> ()
    %parallel_loop3A_46 = arith.constant 0 : i32
    %parallel_loop3A_47 = arith.constant 32000 : i32
    %parallel_loop3A_48 = arith.constant 16 : i32
    scf.for %parallel_loop3A_56 = %parallel_loop3A_46 to %parallel_loop3A_47 step %parallel_loop3A_48  : i32 {
      %parallel_loop3A_57 = arith.constant 3 : i32
      %parallel_loop3A_58 = arith.muli %parallel_loop3A_57, %parallel_loop3A_56 : i32
      %parallel_loop3A_59 = vector.broadcast %parallel_loop3A_58 : i32 to vector<16xi32>
      %parallel_loop3A_60 = arith.addi %mul3A_35, %parallel_loop3A_59 : vector<16xi32>
      %parallel_loop3A_61 = tpu.vector_load_idx %arg4[%parallel_loop3A_60] : memref<96000xf32, #tpu.memory_space<vmem>>[vector<16xi32>], vector<16xf32>,
      %parallel_loop3A_62 = arith.index_cast %parallel_loop3A_56 : i32 to index
      %parallel_loop3A_63 = tpu.vector_load %arg5[%parallel_loop3A_62] {strides = array<i32>} : memref<32000xf32, #tpu.memory_space<vmem>>, vector<16xf32>,
      tpu.vector_store %arg5[%parallel_loop3A_62], %parallel_loop3A_61 {strides = array<i32>} : memref<32000xf32, #tpu.memory_space<vmem>>, vector<16xf32>,
    } {sc.loop_unroll_factor = 16 : i64, sc.parallel_access}
    "tpu.region"() ({
      %run_scoped3A = tpu.sem_alloc : memref<!tpu.dma_semaphore, #tpu.memory_space<semaphore_mem>>
      %dma_start3A = arith.constant 0 : i32
      %dma_start3A_56 = tpu.memref_slice %arg5[%dma_start3A] : memref<32000xf32, #tpu.memory_space<vmem>> -> memref<32000xf32, #tpu.memory_space<vmem>>
      %dma_start3A_57 = tpu.memref_slice %arg3[%select_n3A, %add3A_43] : memref<16x160000xf32, #tpu.memory_space<hbm>> -> memref<1x32000xf32, #tpu.memory_space<hbm>>
      %dma_start3A_58 = tpu.memref_squeeze %dma_start3A_57 : memref<1x32000xf32, #tpu.memory_space<hbm>> -> memref<32000xf32, #tpu.memory_space<hbm>>
      %dma_start3A_59 = tpu.memref_slice %arg3[%select_n3A, %add3A_43] : memref<16x160000xf32, #tpu.memory_space<hbm>> -> memref<1x32000xf32, #tpu.memory_space<hbm>>
      %dma_start3A_60 = tpu.memref_squeeze %dma_start3A_59 : memref<1x32000xf32, #tpu.memory_space<hbm>> -> memref<32000xf32, #tpu.memory_space<hbm>>
      %dma_start3A_61 = arith.constant 0 : i32
      %dma_start3A_62 = tpu.memref_slice %arg5[%dma_start3A_61] : memref<32000xf32, #tpu.memory_space<vmem>> -> memref<32000xf32, #tpu.memory_space<vmem>>
      tpu.enqueue_dma source(%dma_start3A_62 : memref<32000xf32, #tpu.memory_space<vmem>>) target(%dma_start3A_60 : memref<32000xf32, #tpu.memory_space<hbm>>) target_semaphore(%run_scoped3A : memref<!tpu.dma_semaphore, #tpu.memory_space<semaphore_mem>>)
      %dma_wait3A = arith.constant 0 : i32
      %dma_wait3A_63 = tpu.memref_slice %arg5[%dma_wait3A] : memref<32000xf32, #tpu.memory_space<vmem>> -> memref<32000xf32, #tpu.memory_space<vmem>>
      %dma_wait3A_64 = tpu.memref_slice %arg3[%select_n3A, %add3A_43] : memref<16x160000xf32, #tpu.memory_space<hbm>> -> memref<1x32000xf32, #tpu.memory_space<hbm>>
      %dma_wait3A_65 = tpu.memref_squeeze %dma_wait3A_64 : memref<1x32000xf32, #tpu.memory_space<hbm>> -> memref<32000xf32, #tpu.memory_space<hbm>>
      %dma_wait3A_66 = tpu.memref_slice %arg3[%select_n3A, %add3A_43] : memref<16x160000xf32, #tpu.memory_space<hbm>> -> memref<1x32000xf32, #tpu.memory_space<hbm>>
      %dma_wait3A_67 = tpu.memref_squeeze %dma_wait3A_66 : memref<1x32000xf32, #tpu.memory_space<hbm>> -> memref<32000xf32, #tpu.memory_space<hbm>>
      %dma_wait3A_68 = arith.constant 0 : i32
      %dma_wait3A_69 = tpu.memref_slice %arg5[%dma_wait3A_68] : memref<32000xf32, #tpu.memory_space<vmem>> -> memref<32000xf32, #tpu.memory_space<vmem>>
      tpu.wait_dma2 semaphore(%run_scoped3A : memref<!tpu.dma_semaphore, #tpu.memory_space<semaphore_mem>>) src(%dma_wait3A_69 : memref<32000xf32, #tpu.memory_space<vmem>>) dst(%dma_wait3A_67 : memref<32000xf32, #tpu.memory_space<hbm>>)
      tpu.yield
    }) : () -> ()
    %add3A_49 = arith.constant 64000 : i32
    %add3A_50 = arith.addi %mul3A_32, %add3A_49 : i32
    %mul3A_51 = arith.constant 3 : i32
    %mul3A_52 = arith.muli %mul3A_51, %add3A_50 : i32
    "tpu.region"() ({
      %run_scoped3A = tpu.sem_alloc : memref<!tpu.dma_semaphore, #tpu.memory_space<semaphore_mem>>
      %dma_start3A = arith.constant 0 : i32
      %dma_start3A_56 = tpu.memref_slice %arg4[%dma_start3A] : memref<96000xf32, #tpu.memory_space<vmem>> -> memref<48000xf32, #tpu.memory_space<vmem>>
      %dma_start3A_57 = tpu.memref_slice %arg2[%select_n3A, %mul3A_52] : memref<16x480000xf32, #tpu.memory_space<hbm>> -> memref<1x48000xf32, #tpu.memory_space<hbm>>
      %dma_start3A_58 = tpu.memref_squeeze %dma_start3A_57 : memref<1x48000xf32, #tpu.memory_space<hbm>> -> memref<48000xf32, #tpu.memory_space<hbm>>
      %dma_start3A_59 = arith.constant 0 : i32
      %dma_start3A_60 = tpu.memref_slice %arg4[%dma_start3A_59] : memref<96000xf32, #tpu.memory_space<vmem>> -> memref<48000xf32, #tpu.memory_space<vmem>>
      %dma_start3A_61 = tpu.memref_slice %arg2[%select_n3A, %mul3A_52] : memref<16x480000xf32, #tpu.memory_space<hbm>> -> memref<1x48000xf32, #tpu.memory_space<hbm>>
      %dma_start3A_62 = tpu.memref_squeeze %dma_start3A_61 : memref<1x48000xf32, #tpu.memory_space<hbm>> -> memref<48000xf32, #tpu.memory_space<hbm>>
      tpu.enqueue_dma source(%dma_start3A_62 : memref<48000xf32, #tpu.memory_space<hbm>>) target(%dma_start3A_60 : memref<48000xf32, #tpu.memory_space<vmem>>) target_semaphore(%run_scoped3A : memref<!tpu.dma_semaphore, #tpu.memory_space<semaphore_mem>>)
      %dma_wait3A = arith.constant 0 : i32
      %dma_wait3A_63 = tpu.memref_slice %arg4[%dma_wait3A] : memref<96000xf32, #tpu.memory_space<vmem>> -> memref<48000xf32, #tpu.memory_space<vmem>>
      %dma_wait3A_64 = tpu.memref_slice %arg2[%select_n3A, %mul3A_52] : memref<16x480000xf32, #tpu.memory_space<hbm>> -> memref<1x48000xf32, #tpu.memory_space<hbm>>
      %dma_wait3A_65 = tpu.memref_squeeze %dma_wait3A_64 : memref<1x48000xf32, #tpu.memory_space<hbm>> -> memref<48000xf32, #tpu.memory_space<hbm>>
      %dma_wait3A_66 = arith.constant 0 : i32
      %dma_wait3A_67 = tpu.memref_slice %arg4[%dma_wait3A_66] : memref<96000xf32, #tpu.memory_space<vmem>> -> memref<48000xf32, #tpu.memory_space<vmem>>
      %dma_wait3A_68 = tpu.memref_slice %arg2[%select_n3A, %mul3A_52] : memref<16x480000xf32, #tpu.memory_space<hbm>> -> memref<1x48000xf32, #tpu.memory_space<hbm>>
      %dma_wait3A_69 = tpu.memref_squeeze %dma_wait3A_68 : memref<1x48000xf32, #tpu.memory_space<hbm>> -> memref<48000xf32, #tpu.memory_space<hbm>>
      tpu.wait_dma2 semaphore(%run_scoped3A : memref<!tpu.dma_semaphore, #tpu.memory_space<semaphore_mem>>) src(%dma_wait3A_69 : memref<48000xf32, #tpu.memory_space<hbm>>) dst(%dma_wait3A_67 : memref<48000xf32, #tpu.memory_space<vmem>>)
      tpu.yield
    }) : () -> ()
    %parallel_loop3A_53 = arith.constant 0 : i32
    %parallel_loop3A_54 = arith.constant 16000 : i32
    %parallel_loop3A_55 = arith.constant 16 : i32
    scf.for %parallel_loop3A_56 = %parallel_loop3A_53 to %parallel_loop3A_54 step %parallel_loop3A_55  : i32 {
      %parallel_loop3A_57 = arith.constant 3 : i32
      %parallel_loop3A_58 = arith.muli %parallel_loop3A_57, %parallel_loop3A_56 : i32
      %parallel_loop3A_59 = vector.broadcast %parallel_loop3A_58 : i32 to vector<16xi32>
      %parallel_loop3A_60 = arith.addi %mul3A_35, %parallel_loop3A_59 : vector<16xi32>
      %parallel_loop3A_61 = tpu.vector_load_idx %arg4[%parallel_loop3A_60] : memref<96000xf32, #tpu.memory_space<vmem>>[vector<16xi32>], vector<16xf32>,
      %parallel_loop3A_62 = arith.index_cast %parallel_loop3A_56 : i32 to index
      %parallel_loop3A_63 = tpu.vector_load %arg5[%parallel_loop3A_62] {strides = array<i32>} : memref<32000xf32, #tpu.memory_space<vmem>>, vector<16xf32>,
      tpu.vector_store %arg5[%parallel_loop3A_62], %parallel_loop3A_61 {strides = array<i32>} : memref<32000xf32, #tpu.memory_space<vmem>>, vector<16xf32>,
    } {sc.loop_unroll_factor = 16 : i64, sc.parallel_access}
    "tpu.region"() ({
      %run_scoped3A = tpu.sem_alloc : memref<!tpu.dma_semaphore, #tpu.memory_space<semaphore_mem>>
      %dma_start3A = arith.constant 0 : i32
      %dma_start3A_56 = tpu.memref_slice %arg5[%dma_start3A] : memref<32000xf32, #tpu.memory_space<vmem>> -> memref<16000xf32, #tpu.memory_space<vmem>>
      %dma_start3A_57 = tpu.memref_slice %arg3[%select_n3A, %add3A_50] : memref<16x160000xf32, #tpu.memory_space<hbm>> -> memref<1x16000xf32, #tpu.memory_space<hbm>>
      %dma_start3A_58 = tpu.memref_squeeze %dma_start3A_57 : memref<1x16000xf32, #tpu.memory_space<hbm>> -> memref<16000xf32, #tpu.memory_space<hbm>>
      %dma_start3A_59 = tpu.memref_slice %arg3[%select_n3A, %add3A_50] : memref<16x160000xf32, #tpu.memory_space<hbm>> -> memref<1x16000xf32, #tpu.memory_space<hbm>>
      %dma_start3A_60 = tpu.memref_squeeze %dma_start3A_59 : memref<1x16000xf32, #tpu.memory_space<hbm>> -> memref<16000xf32, #tpu.memory_space<hbm>>
      %dma_start3A_61 = arith.constant 0 : i32
      %dma_start3A_62 = tpu.memref_slice %arg5[%dma_start3A_61] : memref<32000xf32, #tpu.memory_space<vmem>> -> memref<16000xf32, #tpu.memory_space<vmem>>
      tpu.enqueue_dma source(%dma_start3A_62 : memref<16000xf32, #tpu.memory_space<vmem>>) target(%dma_start3A_60 : memref<16000xf32, #tpu.memory_space<hbm>>) target_semaphore(%run_scoped3A : memref<!tpu.dma_semaphore, #tpu.memory_space<semaphore_mem>>)
      %dma_wait3A = arith.constant 0 : i32
      %dma_wait3A_63 = tpu.memref_slice %arg5[%dma_wait3A] : memref<32000xf32, #tpu.memory_space<vmem>> -> memref<16000xf32, #tpu.memory_space<vmem>>
      %dma_wait3A_64 = tpu.memref_slice %arg3[%select_n3A, %add3A_50] : memref<16x160000xf32, #tpu.memory_space<hbm>> -> memref<1x16000xf32, #tpu.memory_space<hbm>>
      %dma_wait3A_65 = tpu.memref_squeeze %dma_wait3A_64 : memref<1x16000xf32, #tpu.memory_space<hbm>> -> memref<16000xf32, #tpu.memory_space<hbm>>
      %dma_wait3A_66 = tpu.memref_slice %arg3[%select_n3A, %add3A_50] : memref<16x160000xf32, #tpu.memory_space<hbm>> -> memref<1x16000xf32, #tpu.memory_space<hbm>>
      %dma_wait3A_67 = tpu.memref_squeeze %dma_wait3A_66 : memref<1x16000xf32, #tpu.memory_space<hbm>> -> memref<16000xf32, #tpu.memory_space<hbm>>
      %dma_wait3A_68 = arith.constant 0 : i32
      %dma_wait3A_69 = tpu.memref_slice %arg5[%dma_wait3A_68] : memref<32000xf32, #tpu.memory_space<vmem>> -> memref<16000xf32, #tpu.memory_space<vmem>>
      tpu.wait_dma2 semaphore(%run_scoped3A : memref<!tpu.dma_semaphore, #tpu.memory_space<semaphore_mem>>) src(%dma_wait3A_69 : memref<16000xf32, #tpu.memory_space<vmem>>) dst(%dma_wait3A_67 : memref<16000xf32, #tpu.memory_space<hbm>>)
      tpu.yield
    }) : () -> ()
    return
  }
}

</mosaic_0001>

<sc_bundles>
// kernel: _resample.3.cloned.1.call-start
scs
__scs_entry_jumppad:
0x0: {  	(pc) =	sbr.rel $0x88, $3  }
0x1: {  	(tag) =	ssettag $0x0;
	lr =	simm.s32 $0x1  }
0x2: {  	[smem:$0x3FA0] =	sst lr;
	_ =	strace $0xD0000000  }
0x3: {  	_ = 	snop  }
0x4: {  	_ = 	snop  }
0x5: {  	_ = 	snop  }
0x6: {  	_ = 	snop  }
0x7: {  	_ = 	snop  }
__scs_overlays_trampoline_lowered:
0x8: {  	[smem:$0x3FAF] =	sst s0  }
0x9: {  	[smem:$0x3FB0] =	sst s1  }
0xa: {  	[smem:$0x3FB1] =	sst s2  }
0xb: {  	[smem:$0x3FB2] =	sst s3  }
0xc: {  	[smem:$0x3FB3] =	sst s4  }
0xd: {  	[smem:$0x3FB4] =	sst s5  }
0xe: {  	[smem:$0x3FB5] =	sst s6  }
0xf: {  	[smem:$0x3FB6] =	sst s7  }
0x10: {  	[smem:$0x3FB7] =	sst s8  }
0x11: {  	[smem:$0x3FB8] =	sst s9;
	s0 =	simm.s32 @!p0 $0x0  }
0x12: {  	s1 =	sld [smem:$0x3F9E];
	s0 =	simm.s32 @p0 $0x1  }
0x13: {  	[smem:$0x3FB9] =	sst s0;
	s0 =	simm.s32 @!p1 $0x0  }
0x14: {  	s2 =	sld [smem:$0x3F9D];
	s0 =	simm.s32 @p1 $0x1  }
0x15: {  	[smem:$0x3FBA] =	sst s0;
	s0 =	simm.s32 @!p2 $0x0  }
0x16: {  	s3 =	sld [smem:$0x3FDB];
	s0 =	simm.s32 @p2 $0x1  }
0x17: {  	s4 =	simm.s32 $0x1BF5;
	[smem:$0x3FBC] =	sst s0  }
0x18: {  	s0 =	sld [smem:$0x3F9F];
	_ =	swait.ge [sflag:s4], $0x0  }
0x19: {  	s7 =	sld [smem:$0x3FA0]  }
0x1a: {  	s8 =	sadd.s32 $0xFFFFE003, lr  }
0x1b: {  	s9 =	sadd.s32 $0xFFFFFEF7, lr;
	s5 =	simm.s32 $0xFFFFFFFF;
	p2 =	slt.u32 s8, $0xFFFFF086  }
0x1c: {  	p1 =	slt.u32 s9, $0xF7A;
	s5 =	simm.s32 @!p2 $0x0  }
0x1d: {  	s5 =	simm.s32 @p1 $0x1;
	p0 =	seq.s32 s7, s2  }
0x1e: {  	s7 =	smul.u32 @!p0 $0xF7A, s2;
	p2 =	seq.s32 @!p0 s5, $0x0  }
0x1f: {  	s9 =	smul.u32 $0xF7A, s1;
	s8 =	simm.s32 @!p0 $0x1BF5;
	p2 =	por !p2, p0  }
0x20: {  	[sflag:s8] =	ssyncset.s32 @!p0 $0xFFFFF086;
	s6 =	sadd.s32 @!p0 s3, s7;
	s7 =	simm.s32 @!p0 $0x108  }
0x21: {  	s3 =	sadd.s32 s3, s9;
	s6 =	sadd.s32 @!p0 $0x88, s6;
	s7 =	simm.s32 @p2 $0x1082  }
0x22: {  	[simem:s7], [sflag:s8] =	dma.local @!p0 [hbm:s6], $0xF7A  }
0x23: {  	s9 =	sor.u32 $0xD0000000, s2;
	s6 =	simm.s32 $0x108;
	_ =	swait.ge @!p0 [sflag:s8], $0x0  }
0x24: {  	s3 =	sadd.s32 $0x88, s3;
	s6 =	simm.s32 @!p1 $0x1082;
	[sflag:s4] =	ssyncset.s32 $0xFFFFF086  }
0x25: {  	[simem:s6], [sflag:s4] =	dma.local [hbm:s3], $0xF7A  }
0x26: {  	[smem:$0x3FA0] =	sst s1;
	(tag) =	ssettag s2;
	_ =	strace s9  }
0x27: {  	s1 =	sld [smem:$0x3FB0]  }
0x28: {  	s2 =	sld [smem:$0x3FB1]  }
0x29: {  	s4 =	sld [smem:$0x3FB3]  }
0x2a: {  	p0 =	seq.s32 s5, $0x0;
	s5 =	sld [smem:$0x3FB4]  }
0x2b: {  	s6 =	sld [smem:$0x3FB5]  }
0x2c: {  	s7 =	sld [smem:$0x3FB6]  }
0x2d: {  	s3 =	simm.s32 $0x108;
	s8 =	sld [smem:$0x3FB7]  }
0x2e: {  	s3 =	simm.s32 @!p0 $0x1082;
	s9 =	sld [smem:$0x3FB8]  }
0x2f: {  	lr =	sadd.s32 s0, s3;
	s0 =	sld [smem:$0x3FAF]  }
0x30: {  	s3 =	sld [smem:$0x3FB2]  }
0x31: {  	[smem:$0x3FBB] =	sst s10  }
0x32: {  	s10 =	sld [smem:$0x3FB9];
	_ =	sdelay $0x3  }
0x33: {  	p0 =	seq.s32 s10, $0x1;
	s10 =	sld [smem:$0x3FBB];
	_ =	sdelay $0x3  }
0x34: {  	[smem:$0x3FBB] =	sst s10  }
0x35: {  	s10 =	sld [smem:$0x3FBA];
	_ =	sdelay $0x3  }
0x36: {  	p1 =	seq.s32 s10, $0x1;
	s10 =	sld [smem:$0x3FBB];
	_ =	sdelay $0x3  }
0x37: {  	[smem:$0x3FBB] =	sst s10  }
0x38: {  	s10 =	sld [smem:$0x3FBC]  }
0x39: {  	_ = 	snop;
	(pc) =	sbr.ind lr, $3  }
0x3a: {  	_ = 	snop  }
0x3b: {  	_ = 	snop  }
0x3c: {  	p2 =	seq.s32 s10, $0x1;
	s10 =	sld [smem:$0x3FBB]  }
0x3d: {  	_ =	shalt  }
0x3e: {  	_ =	shalt  }
0x3f: {  	_ =	shalt  }
0x40: {  	_ =	shalt  }
0x41: {  	_ =	shalt  }
0x42: {  	_ =	shalt  }
0x43: {  	_ =	shalt  }
0x44: {  	_ =	shalt  }
0x45: {  	_ =	shalt  }
0x46: {  	_ =	shalt  }
0x47: {  	_ =	shalt  }
0x48: {  	_ =	shalt  }
0x49: {  	_ =	shalt  }
0x4a: {  	_ =	shalt  }
0x4b: {  	_ =	shalt  }
0x4c: {  	_ =	shalt  }
0x4d: {  	_ =	shalt  }
0x4e: {  	_ =	shalt  }
0x4f: {  	_ =	shalt  }
0x50: {  	_ =	shalt  }
0x51: {  	_ =	shalt  }
0x52: {  	_ =	shalt  }
0x53: {  	_ =	shalt  }
0x54: {  	_ =	shalt  }
0x55: {  	_ =	shalt  }
0x56: {  	_ =	shalt  }
0x57: {  	_ =	shalt  }
0x58: {  	_ =	shalt  }
0x59: {  	_ =	shalt  }
0x5a: {  	_ =	shalt  }
0x5b: {  	_ =	shalt  }
0x5c: {  	_ =	shalt  }
0x5d: {  	_ =	shalt  }
0x5e: {  	_ =	shalt  }
0x5f: {  	_ =	shalt  }
0x60: {  	_ =	shalt  }
0x61: {  	_ =	shalt  }
0x62: {  	_ =	shalt  }
0x63: {  	_ =	shalt  }
0x64: {  	_ =	shalt  }
0x65: {  	_ =	shalt  }
0x66: {  	_ =	shalt  }
0x67: {  	_ =	shalt  }
0x68: {  	_ =	shalt  }
0x69: {  	_ =	shalt  }
0x6a: {  	_ =	shalt  }
0x6b: {  	_ =	shalt  }
0x6c: {  	_ =	shalt  }
0x6d: {  	_ =	shalt  }
0x6e: {  	_ =	shalt  }
0x6f: {  	_ =	shalt  }
0x70: {  	_ =	shalt  }
0x71: {  	_ =	shalt  }
0x72: {  	_ =	shalt  }
0x73: {  	_ =	shalt  }
0x74: {  	_ =	shalt  }
0x75: {  	_ =	shalt  }
0x76: {  	_ =	shalt  }
0x77: {  	_ =	shalt  }
0x78: {  	_ =	shalt  }
0x79: {  	_ =	shalt  }
0x7a: {  	_ =	shalt  }
0x7b: {  	_ =	shalt  }
0x7c: {  	_ =	shalt  }
0x7d: {  	_ =	shalt  }
0x7e: {  	_ =	shalt  }
0x7f: {  	_ =	shalt  }
0x80: {  	_ =	shalt  }
0x81: {  	_ =	shalt  }
0x82: {  	_ =	shalt  }
0x83: {  	_ =	shalt  }
0x84: {  	_ =	shalt  }
0x85: {  	_ =	shalt  }
0x86: {  	_ =	shalt  }
0x87: {  	_ =	shalt  }
.Lfunc_end0:
.L_simem_size_0:
called_computation_lowered:
.L_overlay_start_0:
0x88: {  	s2 =	sld [smem:$0x3FD9]  }
0x89: {  	s3 =	sld [smem:$0x3FFE];
	_ =	sdelay $0x1  }
0x8a: {  	s1 =	srdreg.scid  }
0x8b: {  	s0 =	sand.u32 $0x1, s1  }
0x8c: {  	s18 =	sshll.u32 s0, $0xA;
	s2 =	sadd.s32 s3, s2  }
0x8d: {  	s2 =	sadd.s32 s2, s18  }
0x8e: {  	[smem:$0x3FC7] =	sst s2  }
0x8f: {  	_ = 	snop  }
0x90: {  	s2 =	sld [smem:$0x3FC9]  }
0x91: {  	s19 =	sld [smem:$0x3FD0];
	(tm) =	ssettm $0x1  }
0x92: {  	s4 =	sld [smem:$0x3FFB];
	_ =	sdelay $0x3  }
0x93: {  	_ =	strace s4  }
0x94: {  	s4 =	sld [smem:$0x3FFC];
	_ =	sdelay $0x3  }
0x95: {  	_ =	strace s4  }
0x96: {  	s4 =	sld [smem:$0x3FFD];
	_ =	sdelay $0x3  }
0x97: {  	_ =	strace s4  }
0x98: {  	_ =	strace $0x8FFFFFFF  }
0x99: {  	s20 =	sld [smem:$0x3FDB];
	_ =	sdelay $0x1  }
0x9a: {  	s5 =	simm.s32 $_scs_section_size  }
0x9b: {  	s6 =	simm.s32 $_size__tile_overlayer_lowered;
	s7 =	simm.s32 $_tile_overlayer_lowered  }
0x9c: {  	s23 =	simm.s32 $0x1BFF;
	s22 =	sshll.u32 s7, $0x1;
	s4 =	sadd.s32 s5, s20  }
0x9d: {  	s8 =	simm.s32 $0x0;
	s21 =	sshll.u32 s6, $0x1;
	s6 =	sadd.s32 s22, s4  }
0x9e: {  	[timem:s8], [sflag:s23] =	dma.local [hbm:s6], s21  }
0x9f: {  	_ =	swait.ge [sflag:s23], s21  }
0xa0: {  	s5 =	ssub.s32 $0x0, s21;
	[sflag:s23] =	ssyncset.done $0x0  }
0xa1: {  	[sflag:s23] =	ssyncadd.s32 s5;
	_ =	sdelay $0x1  }
0xa2: {  	s24 =	simm.s32 $0x1B8B  }
0xa3: {  	_ =	swait.ge [sflag:s24], $0x1  }
0xa4: {  	[sflag:s24] =	ssyncset.done $0x0  }
0xa5: {  	s25 =	simm.s32 $0x1B8E;
	[sflag:s24] =	ssyncadd.s32 $0xFFFFFFFF  }
0xa6: {  	s26 =	simm.s32 $execute0_lowered;
	[smem:$0x3FD2] =	sst s25  }
0xa7: {  	s5 =	sshll.u32 s26, $0x1;
	_ =	strace $0x80000046;
	[dreg:$0x1] =	wrdreg $0xFFFFFFFF  }
0xa8: {  	s28 =	simm.s32 $_size_execute0_lowered;
	s4 =	sadd.s32 s4, s5;
	[dreg:$0x0] =	wrdreg $0x0  }
0xa9: {  	s5 =	sshll.u32 s28, $0x1;
	[dreg:$0x2] =	wrdreg s4  }
0xaa: {  	[dreg:$0x3] =	wrdreg s5  }
0xab: {  	[dreg:$0x4] =	wrdreg $0xC0  }
0xac: {  	_ =	task [dreg:s8], $0x5FFFF  }
0xad: {  	[dreg:$0x1] =	wrdreg $0xFFFFFFFF  }
0xae: {  	[dreg:$0x0] =	wrdreg $0x60  }
0xaf: {  	[dreg:$0x2] =	wrdreg s2  }
0xb0: {  	[dreg:$0x3] =	wrdreg s19  }
0xb1: {  	[dreg:$0x4] =	wrdreg $0x9  }
0xb2: {  	_ =	task.clear_ibuf [dreg:s8], $0x5FFFF;
	_ =	strace $0x90000046  }
0xb3: {  	s29 =	simm.s32 $0x9;
	_ =	strace $0x80000048  }
0xb4: {  	_ =	swait.ge [sflag:s29], $0x1  }
0xb5: {  	[sflag:s29] =	ssyncadd.s32 $0xFFFFFFFF  }
0xb6: {  	_ =	strace $0x90000048  }
0xb7: {  	_ =	sfence  }
0xb8: {  	s30 =	sld [smem:$0x0];
	_ =	sdelay $0x2  }
0xb9: {  	s31 =	sshll.u32 s1, $0xD;
	s1 =	sshrl.u32 s1, $0x2  }
0xba: {  	s3 =	sand.u32 $0x4000, s31;
	s1 =	sadd.s32 s1, s30  }
0xbb: {  	s0 =	sor.u32 s3, s0;
	s1 =	sshll.u32 s1, $0x11  }
0xbc: {  	s0 =	sor.u32 s1, s0  }
0xbd: {  	s0 =	sadd.s32 $0x8F2B, s0  }
0xbe: {  	[sflag:s0] =	ssyncadd.remote.s32 $0x1  }
0xbf: {  	_ =	sfence.sel $0xFFFF  }
0xc0: {  	[dreg:$0x0] =	wrdreg $0xFFFFFFFF;
	(pc) =	sbr.abs _section_cstart, $3  }
0xc1: {  	[dreg:$0x1] =	wrdreg $0xFFFFFFFF  }
0xc2: {  	_ =	task.clear_ibuf [dreg:s8], $0x2FFFF;
	_ =	strace $0x9FFFFFFF  }
0xc3: {  	(tm) =	ssettm $0x7FFFFFFF  }
tec
execute0_lowered:
.L_overlay_start_1:
0x0: {  	(tag) =	ssettag $0x1  }
0x1: {  	s1 =	srdreg.scid  }
0x2: {  	s0 =	stileid.u32;
	s3 =	sand.u32 $0x1, s1  }
0x3: {  	s1 =	sor.u32 s3, s0  }
0x4: {  	s8 =	rddreg [dreg:$0x0];
	p1 =	seq.s32 s3, $0x1;
	p0 =	seq.s32 s1, $0x0  }
0x5: {  	s9 =	rddreg [dreg:$0x1];
	s2 =	simm.s32 $0x0;
	p0 =	por !p0, !p1  }
0x6: {  	s6 =	smul.u32 $0x13880, s3;
	s1 =	simm.s32 $0x1;
	p0 =	por !p0, !p0  }
0x7: {  	s10 =	smul.u32 $0x1D4C00, s3;
	s11 =	ssub.s32 $0x2, s3;
	s1 =	simm.s32 @!p0 $0x0  }
0x8: {  	s3 =	smul.u32 $0x9C400, s3;
	s14 =	sadd.s32 $0x7D00, s6;
	s4 =	ssub.s32 s0, s1  }
0x9: {  	[smem:$0x7FF] =	sst s2;
	s23 =	smul.u32 $0x18, s14;
	s5 =	sshrl.u32 s4, $0x3  }
0xa: {  	_ =	strace $0x80000047;
	s20 =	sshrl.u32 s11, $0x1;
	s7 =	smul.u32 $0x3A9800, s5  }
0xb: {  	s11 =	ssub.s32 s11, s20;
	s28 =	sshll.u32 s6, $0x3;
	s12 =	smul.u32 $0x138800, s5  }
0xc: {  	s26 =	sshll.u32 s14, $0x3;
	s14 =	simm.s32 $0x0;
	s4 =	sshll.u32 s4, $0x7  }
0xd: {  	s13 =	sand.u32 $0x380, s4;
	s21 =	sadd.s32 s10, s7;
	s22 =	sadd.s32 s3, s12  }
0xe: {  	s3 =	simm.s32 $0x1;
	s7 =	sadd.s32 s23, s7;
	s29 =	sadd.s32 s26, s12  }
0xf: {  	s30 =	sadd.s32 s12, s28;
	s15 =	sor.u32 s13, s21;
	s24 =	sor.u32 s13, s22  }
0x10: {  	s7 =	sor.u32 s13, s7;
	s10 =	sor.u32 s13, s30;
	s25 =	sshrl.u32 s15, $0x3  }
0x11: {  	s16 =	sshrl.u32 s24, $0x3;
	s7 =	sshrl.u32 s7, $0x3;
	s31 =	sadd.s32 $0x177000, s15  }
0x12: {  	s10 =	sadd.s32 $0x7D000, s10;
	s4 =	sadd.s32 s8, s25;
	s5 =	sadd.s32 s9, s16  }
0x13: {  	v0 =	vlaneseq.u32;
	s6 =	sadd.s32 s8, s7;
	s7 =	sor.u32 s13, s29;
	s12 =	sshrl.u32 s31, $0x3  }
0x14: {  	v0 =	vmul.u32 $0x3, v0;
	s10 =	sshrl.u32 s10, $0x3;
	s13 =	simm.s32 $0x17700;
	s7 =	sshrl.u32 s7, $0x3  }
0x15: {  	v1 =	vimm.s32 $0x0;
	vm0 =	vcmask $0x300;
	s8 =	sadd.s32 s8, s12;
	s12 =	simm.s32 $0x400;
	s7 =	sadd.s32 s9, s7  }
0x16: {  	v1 =	vsel vm0, $0x7, v1;
	v2 =	vor.u32 $0x40, v0;
	s9 =	sadd.s32 s9, s10;
	s10 =	smax.u32 s11, $0x1;
	s11 =	simm.s32 $0x80  }
.LBB2_1:
0x17: {  	[tilespmem:s2], [sflag:$0x1] =	stream.strided.gather [hbm4b:s4+s11], $0x17700, s12, s11, $0x38;
	[tilespmem:$0x1F400] =	vst v63  }
0x18: {  	s15 =	simm.s32 $0x2D0  }
0x19: {  	s16 =	simm.s32 $0x30;
	v3 =	vadd.s32 s15, v0  }
0x1a: {  	s1 =	simm.s32 $0x60;
	s17 =	simm.s32 $0xC0;
	s18 =	simm.s32 $0x180;
	v4 =	vadd.s32 s16, v0  }
0x1b: {  	s19 =	simm.s32 $0x90;
	s20 =	simm.s32 $0x0;
	_ =	swait.ge [sflag:s3], $0x17700;
	v5 =	vmov s17;
	v6 =	vadd.s32 s1, v0;
	v7 =	vmov s18  }
0x1c: {  	s21 =	simm.s32 $0xF0;
	s22 =	simm.s32 $0x120;
	v8 =	vadd.s32 s19, v0;
	v9 =	vmov s20;
	[sflag:s3] =	ssyncset.done $0x0;
	v5 =	vshrl.u32 v5, $0x7  }
0x1d: {  	v10 =	vadd.s32 s21, v0;
	v11 =	vadd.s32 s22, v0;
	[sflag:s3] =	ssyncadd.s32 $0xFFFE8900;
	v5 =	vshll.u32 v5, v1  }
0x1e: {  	s23 =	simm.s32 $0x150;
	v9 =	vshrl.u32 v9, $0x7;
	v7 =	vshrl.u32 v7, $0x7;
	v5 =	vbroadcast v5, $0x0;
	v12 =	vld.idx.msk [tilespmem:v3+s2+$0x0], $0xffff  }
0x1f: {  	v7 =	vshll.u32 v7, v1;
	v3 =	vshll.u32 v9, v1;
	v4 =	vld.idx.msk [tilespmem:v4+s2+$0x0], $0xffff;
	v9 =	vadd.s32 s23, v0  }
0x20: {  	s25 =	simm.s32 $0x210;
	v7 =	vbroadcast v7, $0x0;
	v6 =	vld.idx.msk [tilespmem:v6+s2+$0x0], $0xffff;
	v5 =	vor.u32 v2, v5  }
0x21: {  	s24 =	simm.s32 $0x240;
	v14 =	vadd.s32 s25, v0;
	v8 =	vld.idx.msk [tilespmem:v8+s2+$0x0], $0xffff;
	v3 =	vbroadcast v3, $0x0  }
0x22: {  	v13 =	vmov s24;
	v10 =	vld.idx.msk [tilespmem:v10+s2+$0x0], $0xffff;
	v7 =	vor.u32 v0, v7  }
0x23: {  	s21 =	simm.s32 $0x390;
	v13 =	vshrl.u32 v13, $0x7;
	v15 =	vor.u32 v0, v3;
	v3 =	vld.idx.msk [tilespmem:v11+s2+$0x0], $0xffff  }
0x24: {  	s26 =	simm.s32 $0x1B0;
	s15 =	simm.s32 $0x17780;
	v18 =	vadd.s32 s21, v0;
	v13 =	vshll.u32 v13, v1;
	v9 =	vld.idx.msk [tilespmem:v9+s2+$0x0], $0xffff  }
0x25: {  	s28 =	simm.s32 $0x1E0;
	v11 =	vbroadcast v13, $0x0;
	v13 =	vadd.s32 s26, v0;
	v5 =	vld.idx.msk [tilespmem:v5+s2+$0x0], $0xffff;
	[tilespmem:s15+$0xFFFFFF90] =	vst v4  }
0x26: {  	s29 =	simm.s32 $0x270;
	v16 =	vadd.s32 s28, v0;
	v4 =	vld.idx.msk [tilespmem:v14+s2+$0x0], $0xffff;
	[tilespmem:s15+$0xFFFFFFA0] =	vst v6  }
0x27: {  	s30 =	simm.s32 $0x2A0;
	v14 =	vadd.s32 s29, v0;
	[tilespmem:s15+$0xFFFFFFB0] =	vst v8;
	v7 =	vld.idx.msk [tilespmem:v7+s2+$0x0], $0xffff  }
0x28: {  	s31 =	simm.s32 $0x5D0;
	v8 =	vadd.s32 s30, v0;
	[tilespmem:s15+$0xFFFFFFD0] =	vst v10;
	v6 =	vld.idx.msk [tilespmem:v15+s2+$0x0], $0xffff  }
0x29: {  	s19 =	simm.s32 $0x360;
	v10 =	vadd.s32 s31, v0;
	[tilespmem:s15+$0x70] =	vst v12;
	v12 =	vld.idx.msk [tilespmem:v18+s2+$0x0], $0xffff  }
0x2a: {  	s1 =	simm.s32 $0x330;
	v17 =	vadd.s32 s19, v0;
	v13 =	vld.idx.msk [tilespmem:v13+s2+$0x0], $0xffff;
	[tilespmem:s15+$0xFFFFFFF0] =	vst v9  }
0x2b: {  	s18 =	simm.s32 $0x3C0;
	s24 =	simm.s32 $0x420;
	v15 =	vadd.s32 s1, v0;
	v9 =	vld.idx.msk [tilespmem:v16+s2+$0x0], $0xffff;
	[tilespmem:s15+$0xFFFFFFC0] =	vst v5  }
0x2c: {  	s22 =	simm.s32 $0x300;
	v20 =	vadd.s32 s24, v0;
	v16 =	vmov s18;
	[tilespmem:s15+$0x30] =	vst v4;
	v14 =	vld.idx.msk [tilespmem:v14+s2+$0x0], $0xffff  }
0x2d: {  	s23 =	simm.s32 $0x3F0;
	v11 =	vor.u32 v2, v11;
	v4 =	vmov s22;
	v5 =	vshrl.u32 v16, $0x7;
	[tilespmem:s15+$0xFFFFFF80] =	vst v6;
	v6 =	vld.idx.msk [tilespmem:v8+s2+$0x0], $0xffff  }
0x2e: {  	s20 =	simm.s32 $0x480;
	s25 =	simm.s32 $0x450;
	v19 =	vadd.s32 s23, v0;
	v5 =	vshll.u32 v5, v1;
	v8 =	vshrl.u32 v4, $0x7;
	v4 =	vld.idx.msk [tilespmem:v10+s2+$0x0], $0xffff  }
0x2f: {  	s26 =	simm.s32 $0x510;
	v16 =	vmov s20;
	v5 =	vbroadcast v5, $0x0;
	v10 =	vadd.s32 s25, v0;
	[tilespmem:s15+$0x10] =	vst v13;
	v13 =	vld.idx.msk [tilespmem:v17+s2+$0x0], $0xffff  }
0x30: {  	[tilespmem:s15+$0x0] =	vst v7;
	v17 =	vadd.s32 s26, v0;
	v7 =	vshll.u32 v8, v1;
	v8 =	vld.idx.msk [tilespmem:v15+s2+$0x0], $0xffff;
	v15 =	vshrl.u32 v16, $0x7  }
0x31: {  	s28 =	simm.s32 $0x540;
	v7 =	vbroadcast v7, $0x0;
	v16 =	vor.u32 v2, v5;
	v5 =	vshll.u32 v15, v1  }
0x32: {  	s16 =	simm.s32 $0x17880;
	v11 =	vld.idx.msk [tilespmem:v11+s2+$0x0], $0xffff;
	[tilespmem:s15+$0x20] =	vst v9;
	v9 =	vmov s28;
	v15 =	vbroadcast v5, $0x0  }
0x33: {  	v62 =	vld.idx.msk [tilespmem:v19+s2+$0x0], $0xffff;
	[tilespmem:s16+$0xFFFFFFB0] =	vst v12;
	v9 =	vshrl.u32 v9, $0x7;
	v7 =	vor.u32 v0, v7  }
0x34: {  	s29 =	simm.s32 $0x4B0;
	v63 =	vor.u32 v0, v15;
	[tilespmem:s15+$0x60] =	vst v6;
	v6 =	vld.idx.msk [tilespmem:v10+s2+$0x0], $0xffff;
	v10 =	vshll.u32 v9, v1  }
0x35: {  	s30 =	simm.s32 $0x4E0;
	[tilespmem:s15+$0x50] =	vst v14;
	v5 =	vld.idx.msk [tilespmem:v20+s2+$0x0], $0xffff;
	v15 =	vadd.s32 s29, v0;
	v10 =	vbroadcast v10, $0x0  }
0x36: {  	v14 =	vadd.s32 s30, v0;
	[tilespmem:s16+$0xFFFFFF90] =	vst v8;
	v8 =	vld.idx.msk [tilespmem:v17+s2+$0x0], $0xffff  }
0x37: {  	s31 =	simm.s32 $0x570;
	[tilespmem:s15+$0x40] =	vst v11;
	v9 =	vld.idx.msk [tilespmem:v16+s2+$0x0], $0xffff;
	v11 =	vor.u32 v2, v10  }
0x38: {  	s19 =	simm.s32 $0x5A0;
	[tilespmem:s16+$0xFFFFFFA0] =	vst v13;
	v13 =	vadd.s32 s31, v0;
	v7 =	vld.idx.msk [tilespmem:v7+s2+$0x0], $0xffff  }
0x39: {  	s17 =	simm.s32 $0x100;
	v12 =	vadd.s32 s19, v0;
	s18 =	simm.s32 $0x8D0;
	[tilespmem:s16+$0xFFFFFFD0] =	vst v62;
	v10 =	vld.idx.msk [tilespmem:v63+s2+$0x0], $0xffff  }
.LBB2_2:
0x3a: {  	s19 =	sadd.s32 $0xFFFFFD60, s18;
	s20 =	sadd.s32 $0xFFFFFD90, s18;
	s21 =	sadd.s32 $0xFFFFFDF0, s18;
	v16 =	vadd.s32 s18, v0;
	v15 =	vld.idx.msk [tilespmem:v15+s2+$0x0], $0xffff;
	[tilespmem:s15+$0xFFFFFFE0] =	vst v3;
	v3 =	vmov v5  }
0x3b: {  	s22 =	sadd.s32 $0xFFFFFD30, s18;
	s15 =	sadd.s32 $0xFFFFFEB0, s18;
	v5 =	vadd.s32 s19, v0;
	v17 =	vmov s21;
	s19 =	sadd.s32 $0xFFFFFF70, s18;
	[tilespmem:s16+$0xFFFFFFF0] =	vst v6;
	v6 =	vld.idx.msk [tilespmem:v14+s2+$0x0], $0xffff  }
0x3c: {  	s17 =	sadd.s32 $0x100, s17;
	v14 =	vadd.s32 s20, v0;
	s20 =	sadd.s32 $0xFFFFFDC0, s18;
	v18 =	vmov s15;
	s15 =	smov.u32 s16;
	v17 =	vshrl.u32 v17, $0x7;
	[tilespmem:s16+$0xFFFFFFC0] =	vst v9;
	v9 =	vld.idx.msk [tilespmem:v11+s2+$0x0], $0xffff  }
0x3d: {  	p0 =	slt.u32 s17, $0x7C00;
	v11 =	vmov s22;
	v19 =	vadd.s32 s20, v0;
	s20 =	sadd.s32 $0xFFFFFE20, s18;
	v17 =	vshll.u32 v17, v1;
	[tilespmem:s16+$0x30] =	vst v8;
	v8 =	vld.idx.msk [tilespmem:v13+s2+$0x0], $0xffff  }
0x3e: {  	v20 =	vmov s19;
	v11 =	vshrl.u32 v11, $0x7;
	v13 =	vadd.s32 s20, v0;
	s20 =	sadd.s32 $0xFFFFFE50, s18;
	[tilespmem:s16+$0xFFFFFF80] =	vst v7;
	v7 =	vld.idx.msk [tilespmem:v12+s2+$0x0], $0xffff  }
0x3f: {  	s19 =	sadd.s32 $0xFFFFFE80, s18;
	v20 =	vshrl.u32 v20, $0x7;
	v12 =	vbroadcast v17, $0x0;
	v17 =	vadd.s32 s20, v0;
	v16 =	vld.idx.msk [tilespmem:v16+s2+$0x0], $0xffff;
	[tilespmem:s16+$0x0] =	vst v10  }
0x40: {  	v21 =	vadd.s32 s19, v0;
	v10 =	vshll.u32 v11, v1;
	v11 =	vld.idx.msk [tilespmem:v5+s2+$0x0], $0xffff;
	v5 =	vshrl.u32 v18, $0x7;
	[tilespmem:s16+$0x10] =	vst v15  }
0x41: {  	s19 =	sadd.s32 $0xFFFFFF40, s18;
	v10 =	vbroadcast v10, $0x0;
	v12 =	vor.u32 v2, v12;
	v18 =	vld.idx.msk [tilespmem:v14+s2+$0x0], $0xffff;
	v5 =	vshll.u32 v5, v1;
	[tilespmem:s16+$0x70] =	vst v4  }
0x42: {  	v22 =	vadd.s32 s19, v0;
	v19 =	vld.idx.msk [tilespmem:v19+s2+$0x0], $0xffff;
	v14 =	vbroadcast v5, $0x0;
	v5 =	vshll.u32 v20, v1;
	[tilespmem:s16+$0x20] =	vst v6  }
0x43: {  	v10 =	vor.u32 v0, v10;
	v20 =	vld.idx.msk [tilespmem:v13+s2+$0x0], $0xffff;
	v13 =	vbroadcast v5, $0x0;
	[tilespmem:s16+$0x50] =	vst v8  }
0x44: {  	s19 =	sadd.s32 $0xFFFFFEE0, s18;
	v5 =	vld.idx.msk [tilespmem:v17+s2+$0x0], $0xffff;
	v17 =	vor.u32 v0, v14;
	[tilespmem:s16+$0x60] =	vst v7  }
.Ltmp0:
0x45: {  	v15 =	vadd.s32 s19, v0;
	s19 =	sadd.s32 $0xFFFFFF10, s18;
	s16 =	sadd.s32 $0x100, s16;
	v4 =	vmov v16;
	v6 =	vld.idx.msk [tilespmem:v21+s2+$0x0], $0xffff;
	[tilespmem:s15+$0x40] =	vst v9;
	(pc) =	sbr.rel @p0 .LBB2_2-.Ltmp0, $4  }
0x46: {  	v14 =	vadd.s32 s19, v0;
	[tilespmem:s16+$0xFFFFFF90] =	vst v11;
	v9 =	vld.idx.msk [tilespmem:v12+s2+$0x0], $0xffff  }
0x47: {  	s19 =	sadd.s32 $0xFFFFFFA0, s18;
	v11 =	vor.u32 v2, v13;
	[tilespmem:s16+$0xFFFFFFA0] =	vst v18;
	v8 =	vld.idx.msk [tilespmem:v22+s2+$0x0], $0xffff  }
0x48: {  	v13 =	vadd.s32 s19, v0;
	s19 =	sadd.s32 $0xFFFFFFD0, s18;
	v7 =	vld.idx.msk [tilespmem:v10+s2+$0x0], $0xffff;
	[tilespmem:s16+$0xFFFFFFB0] =	vst v19  }
0x49: {  	s18 =	sadd.s32 $0x300, s18;
	v12 =	vadd.s32 s19, v0;
	[tilespmem:s16+$0xFFFFFFD0] =	vst v20;
	v10 =	vld.idx.msk [tilespmem:v17+s2+$0x0], $0xffff  }
0x4a: {  	_ = 	snop  }
0x4b: {  	[tilespmem:s15+$0xFFFFFFE0] =	vst v3  }
0x4c: {  	[tilespmem:s16+$0xFFFFFFF0] =	vst v6  }
0x4d: {  	[tilespmem:s16+$0x70] =	vst v4  }
0x4e: {  	v3 =	vld.idx.msk [tilespmem:v15+s2+$0x0], $0xffff;
	[tilespmem:s16+$0xFFFFFFE0] =	vst v5  }
0x4f: {  	v6 =	vld.idx.msk [tilespmem:v14+s2+$0x0], $0xffff;
	[tilespmem:s16+$0xFFFFFFC0] =	vst v9  }
0x50: {  	v9 =	vld.idx.msk [tilespmem:v11+s2+$0x0], $0xffff;
	[tilespmem:s16+$0x30] =	vst v8  }
0x51: {  	v8 =	vld.idx.msk [tilespmem:v13+s2+$0x0], $0xffff;
	[tilespmem:s16+$0xFFFFFF80] =	vst v7  }
0x52: {  	v7 =	vld.idx.msk [tilespmem:v12+s2+$0x0], $0xffff;
	[tilespmem:s16+$0x0] =	vst v10  }
0x53: {  	[tilespmem:s16+$0x10] =	vst v3  }
0x54: {  	[tilespmem:s16+$0x20] =	vst v6  }
0x55: {  	[tilespmem:s16+$0x40] =	vst v9  }
0x56: {  	[tilespmem:s16+$0x50] =	vst v8  }
0x57: {  	[tilespmem:s16+$0x60] =	vst v7  }
0x58: {  	[hbm4b:s5+s11] =	stream.strided.scatter [tilespmem:s13], [sflag:$0x1], $0x7D00, s12, s11, $0x38;
	[tilespmem:$0x1F400] =	vst v63  }
0x59: {  	s30 =	simm.s32 $0x2D0;
	_ =	swait.ge [sflag:s3], $0x7D00  }
0x5a: {  	s31 =	simm.s32 $0x30;
	s17 =	simm.s32 $0xC0;
	[sflag:s3] =	ssyncset.done $0x0  }
0x5b: {  	s1 =	simm.s32 $0x60;
	s18 =	simm.s32 $0x180;
	v5 =	vmov s17;
	v3 =	vadd.s32 s30, v0;
	[sflag:s3] =	ssyncadd.s32 $0xFFFF8300  }
0x5c: {  	v4 =	vadd.s32 s31, v0;
	v5 =	vshrl.u32 v5, $0x7;
	v7 =	vmov s18;
	[tilespmem:s2], [sflag:$0x1] =	stream.strided.gather [hbm4b:s6+s11], $0x17700, s12, s11, $0x38;
	[tilespmem:$0x1F400] =	vst v63  }
0x5d: {  	s19 =	simm.s32 $0x90;
	v5 =	vshll.u32 v5, v1;
	v6 =	vadd.s32 s1, v0;
	v7 =	vshrl.u32 v7, $0x7;
	_ =	swait.ge [sflag:s3], $0x17700  }
0x5e: {  	s21 =	simm.s32 $0xF0;
	v5 =	vbroadcast v5, $0x0;
	v8 =	vadd.s32 s19, v0;
	v7 =	vshll.u32 v7, v1;
	[sflag:s3] =	ssyncset.done $0x0  }
0x5f: {  	s20 =	simm.s32 $0x0;
	v10 =	vadd.s32 s21, v0;
	v7 =	vbroadcast v7, $0x0;
	[sflag:s3] =	ssyncadd.s32 $0xFFFE8900  }
0x60: {  	v9 =	vmov s20;
	v5 =	vor.u32 v2, v5;
	v12 =	vld.idx.msk [tilespmem:v3+s2+$0x0], $0xffff  }
0x61: {  	s22 =	simm.s32 $0x120;
	v9 =	vshrl.u32 v9, $0x7;
	v7 =	vor.u32 v0, v7;
	v4 =	vld.idx.msk [tilespmem:v4+s2+$0x0], $0xffff  }
0x62: {  	s23 =	simm.s32 $0x150;
	v11 =	vadd.s32 s22, v0;
	v3 =	vshll.u32 v9, v1;
	v6 =	vld.idx.msk [tilespmem:v6+s2+$0x0], $0xffff  }
0x63: {  	s24 =	simm.s32 $0x240;
	s25 =	simm.s32 $0x210;
	v9 =	vadd.s32 s23, v0;
	v8 =	vld.idx.msk [tilespmem:v8+s2+$0x0], $0xffff;
	v3 =	vbroadcast v3, $0x0  }
0x64: {  	v14 =	vadd.s32 s25, v0;
	v13 =	vmov s24;
	v10 =	vld.idx.msk [tilespmem:v10+s2+$0x0], $0xffff  }
0x65: {  	v13 =	vshrl.u32 v13, $0x7;
	s21 =	simm.s32 $0x390;
	v5 =	vld.idx.msk [tilespmem:v5+s2+$0x0], $0xffff;
	v15 =	vor.u32 v0, v3  }
0x66: {  	s26 =	simm.s32 $0x1B0;
	s15 =	simm.s32 $0x17780;
	v13 =	vshll.u32 v13, v1;
	v18 =	vadd.s32 s21, v0;
	v7 =	vld.idx.msk [tilespmem:v7+s2+$0x0], $0xffff  }
0x67: {  	s28 =	simm.s32 $0x1E0;
	v3 =	vld.idx.msk [tilespmem:v11+s2+$0x0], $0xffff;
	v11 =	vbroadcast v13, $0x0;
	v13 =	vadd.s32 s26, v0;
	[tilespmem:s15+$0xFFFFFF90] =	vst v4  }
0x68: {  	s29 =	simm.s32 $0x270;
	v16 =	vadd.s32 s28, v0;
	v9 =	vld.idx.msk [tilespmem:v9+s2+$0x0], $0xffff;
	[tilespmem:s15+$0xFFFFFFA0] =	vst v6  }
0x69: {  	s30 =	simm.s32 $0x2A0;
	v4 =	vld.idx.msk [tilespmem:v14+s2+$0x0], $0xffff;
	v14 =	vadd.s32 s29, v0;
	[tilespmem:s15+$0xFFFFFFB0] =	vst v8  }
0x6a: {  	s31 =	simm.s32 $0x5D0;
	v8 =	vadd.s32 s30, v0;
	[tilespmem:s15+$0xFFFFFFD0] =	vst v10;
	v6 =	vld.idx.msk [tilespmem:v15+s2+$0x0], $0xffff  }
0x6b: {  	s19 =	simm.s32 $0x360;
	v10 =	vadd.s32 s31, v0;
	[tilespmem:s15+$0x70] =	vst v12;
	v12 =	vld.idx.msk [tilespmem:v18+s2+$0x0], $0xffff  }
0x6c: {  	s1 =	simm.s32 $0x330;
	v17 =	vadd.s32 s19, v0;
	[tilespmem:s15+$0xFFFFFFC0] =	vst v5;
	v13 =	vld.idx.msk [tilespmem:v13+s2+$0x0], $0xffff  }
0x6d: {  	s24 =	simm.s32 $0x420;
	s18 =	simm.s32 $0x3C0;
	v15 =	vadd.s32 s1, v0;
	[tilespmem:s15+$0xFFFFFFF0] =	vst v9;
	v9 =	vld.idx.msk [tilespmem:v16+s2+$0x0], $0xffff  }
0x6e: {  	s22 =	simm.s32 $0x300;
	v20 =	vadd.s32 s24, v0;
	v16 =	vmov s18;
	[tilespmem:s15+$0x30] =	vst v4;
	v14 =	vld.idx.msk [tilespmem:v14+s2+$0x0], $0xffff  }
0x6f: {  	s23 =	simm.s32 $0x3F0;
	v11 =	vor.u32 v2, v11;
	v4 =	vmov s22;
	v5 =	vshrl.u32 v16, $0x7;
	[tilespmem:s15+$0xFFFFFF80] =	vst v6;
	v6 =	vld.idx.msk [tilespmem:v8+s2+$0x0], $0xffff  }
0x70: {  	s25 =	simm.s32 $0x450;
	s20 =	simm.s32 $0x480;
	v19 =	vadd.s32 s23, v0;
	v5 =	vshll.u32 v5, v1;
	v8 =	vshrl.u32 v4, $0x7;
	v4 =	vld.idx.msk [tilespmem:v10+s2+$0x0], $0xffff  }
0x71: {  	s26 =	simm.s32 $0x510;
	v16 =	vmov s20;
	v5 =	vbroadcast v5, $0x0;
	v10 =	vadd.s32 s25, v0;
	[tilespmem:s15+$0x10] =	vst v13;
	v13 =	vld.idx.msk [tilespmem:v17+s2+$0x0], $0xffff  }
0x72: {  	[tilespmem:s15+$0x0] =	vst v7;
	v17 =	vadd.s32 s26, v0;
	v7 =	vshll.u32 v8, v1;
	v8 =	vld.idx.msk [tilespmem:v15+s2+$0x0], $0xffff;
	v15 =	vshrl.u32 v16, $0x7  }
0x73: {  	s28 =	simm.s32 $0x540;
	v7 =	vbroadcast v7, $0x0;
	v16 =	vor.u32 v2, v5;
	v5 =	vshll.u32 v15, v1  }
0x74: {  	s16 =	simm.s32 $0x17880;
	v11 =	vld.idx.msk [tilespmem:v11+s2+$0x0], $0xffff;
	[tilespmem:s15+$0x20] =	vst v9;
	v9 =	vmov s28;
	v15 =	vbroadcast v5, $0x0  }
0x75: {  	v62 =	vld.idx.msk [tilespmem:v19+s2+$0x0], $0xffff;
	[tilespmem:s16+$0xFFFFFFB0] =	vst v12;
	v9 =	vshrl.u32 v9, $0x7;
	v7 =	vor.u32 v0, v7  }
0x76: {  	s29 =	simm.s32 $0x4B0;
	v63 =	vor.u32 v0, v15;
	[tilespmem:s15+$0x60] =	vst v6;
	v6 =	vld.idx.msk [tilespmem:v10+s2+$0x0], $0xffff;
	v10 =	vshll.u32 v9, v1  }
0x77: {  	s30 =	simm.s32 $0x4E0;
	[tilespmem:s15+$0x50] =	vst v14;
	v5 =	vld.idx.msk [tilespmem:v20+s2+$0x0], $0xffff;
	v15 =	vadd.s32 s29, v0;
	v10 =	vbroadcast v10, $0x0  }
0x78: {  	v14 =	vadd.s32 s30, v0;
	[tilespmem:s16+$0xFFFFFF90] =	vst v8;
	v8 =	vld.idx.msk [tilespmem:v17+s2+$0x0], $0xffff  }
0x79: {  	s31 =	simm.s32 $0x570;
	[tilespmem:s15+$0x40] =	vst v11;
	v9 =	vld.idx.msk [tilespmem:v16+s2+$0x0], $0xffff;
	v11 =	vor.u32 v2, v10  }
0x7a: {  	s19 =	simm.s32 $0x5A0;
	[tilespmem:s16+$0xFFFFFFA0] =	vst v13;
	v13 =	vadd.s32 s31, v0;
	v7 =	vld.idx.msk [tilespmem:v7+s2+$0x0], $0xffff  }
0x7b: {  	s17 =	simm.s32 $0x100;
	v12 =	vadd.s32 s19, v0;
	s18 =	simm.s32 $0x8D0;
	[tilespmem:s16+$0xFFFFFFD0] =	vst v62;
	v10 =	vld.idx.msk [tilespmem:v63+s2+$0x0], $0xffff  }
.LBB2_4:
0x7c: {  	s19 =	sadd.s32 $0xFFFFFD60, s18;
	s20 =	sadd.s32 $0xFFFFFD90, s18;
	s21 =	sadd.s32 $0xFFFFFDF0, s18;
	v16 =	vadd.s32 s18, v0;
	v15 =	vld.idx.msk [tilespmem:v15+s2+$0x0], $0xffff;
	[tilespmem:s15+$0xFFFFFFE0] =	vst v3;
	v3 =	vmov v5  }
0x7d: {  	s22 =	sadd.s32 $0xFFFFFD30, s18;
	s15 =	sadd.s32 $0xFFFFFEB0, s18;
	v5 =	vadd.s32 s19, v0;
	v17 =	vmov s21;
	s19 =	sadd.s32 $0xFFFFFF70, s18;
	[tilespmem:s16+$0xFFFFFFF0] =	vst v6;
	v6 =	vld.idx.msk [tilespmem:v14+s2+$0x0], $0xffff  }
0x7e: {  	s17 =	sadd.s32 $0x100, s17;
	v14 =	vadd.s32 s20, v0;
	s20 =	sadd.s32 $0xFFFFFDC0, s18;
	v18 =	vmov s15;
	s15 =	smov.u32 s16;
	v17 =	vshrl.u32 v17, $0x7;
	[tilespmem:s16+$0xFFFFFFC0] =	vst v9;
	v9 =	vld.idx.msk [tilespmem:v11+s2+$0x0], $0xffff  }
0x7f: {  	p0 =	slt.u32 s17, $0x7C00;
	v11 =	vmov s22;
	v19 =	vadd.s32 s20, v0;
	s20 =	sadd.s32 $0xFFFFFE20, s18;
	v17 =	vshll.u32 v17, v1;
	[tilespmem:s16+$0x30] =	vst v8;
	v8 =	vld.idx.msk [tilespmem:v13+s2+$0x0], $0xffff  }
0x80: {  	v20 =	vmov s19;
	v11 =	vshrl.u32 v11, $0x7;
	v13 =	vadd.s32 s20, v0;
	s20 =	sadd.s32 $0xFFFFFE50, s18;
	[tilespmem:s16+$0xFFFFFF80] =	vst v7;
	v7 =	vld.idx.msk [tilespmem:v12+s2+$0x0], $0xffff  }
0x81: {  	s19 =	sadd.s32 $0xFFFFFE80, s18;
	v20 =	vshrl.u32 v20, $0x7;
	v12 =	vbroadcast v17, $0x0;
	v17 =	vadd.s32 s20, v0;
	v16 =	vld.idx.msk [tilespmem:v16+s2+$0x0], $0xffff;
	[tilespmem:s16+$0x0] =	vst v10  }
0x82: {  	v21 =	vadd.s32 s19, v0;
	v10 =	vshll.u32 v11, v1;
	v11 =	vld.idx.msk [tilespmem:v5+s2+$0x0], $0xffff;
	v5 =	vshrl.u32 v18, $0x7;
	[tilespmem:s16+$0x10] =	vst v15  }
0x83: {  	s19 =	sadd.s32 $0xFFFFFF40, s18;
	v10 =	vbroadcast v10, $0x0;
	v12 =	vor.u32 v2, v12;
	v18 =	vld.idx.msk [tilespmem:v14+s2+$0x0], $0xffff;
	v5 =	vshll.u32 v5, v1;
	[tilespmem:s16+$0x70] =	vst v4  }
0x84: {  	v22 =	vadd.s32 s19, v0;
	v19 =	vld.idx.msk [tilespmem:v19+s2+$0x0], $0xffff;
	v14 =	vbroadcast v5, $0x0;
	v5 =	vshll.u32 v20, v1;
	[tilespmem:s16+$0x20] =	vst v6  }
0x85: {  	v10 =	vor.u32 v0, v10;
	v20 =	vld.idx.msk [tilespmem:v13+s2+$0x0], $0xffff;
	v13 =	vbroadcast v5, $0x0;
	[tilespmem:s16+$0x50] =	vst v8  }
0x86: {  	s19 =	sadd.s32 $0xFFFFFEE0, s18;
	v5 =	vld.idx.msk [tilespmem:v17+s2+$0x0], $0xffff;
	v17 =	vor.u32 v0, v14;
	[tilespmem:s16+$0x60] =	vst v7  }
.Ltmp1:
0x87: {  	v15 =	vadd.s32 s19, v0;
	s19 =	sadd.s32 $0xFFFFFF10, s18;
	s16 =	sadd.s32 $0x100, s16;
	v4 =	vmov v16;
	v6 =	vld.idx.msk [tilespmem:v21+s2+$0x0], $0xffff;
	[tilespmem:s15+$0x40] =	vst v9;
	(pc) =	sbr.rel @p0 .LBB2_4-.Ltmp1, $4  }
0x88: {  	v14 =	vadd.s32 s19, v0;
	[tilespmem:s16+$0xFFFFFF90] =	vst v11;
	v9 =	vld.idx.msk [tilespmem:v12+s2+$0x0], $0xffff  }
0x89: {  	s19 =	sadd.s32 $0xFFFFFFA0, s18;
	v11 =	vor.u32 v2, v13;
	[tilespmem:s16+$0xFFFFFFA0] =	vst v18;
	v8 =	vld.idx.msk [tilespmem:v22+s2+$0x0], $0xffff  }
0x8a: {  	v13 =	vadd.s32 s19, v0;
	s19 =	sadd.s32 $0xFFFFFFD0, s18;
	v7 =	vld.idx.msk [tilespmem:v10+s2+$0x0], $0xffff;
	[tilespmem:s16+$0xFFFFFFB0] =	vst v19  }
0x8b: {  	s18 =	sadd.s32 $0x300, s18;
	v12 =	vadd.s32 s19, v0;
	[tilespmem:s16+$0xFFFFFFD0] =	vst v20;
	v10 =	vld.idx.msk [tilespmem:v17+s2+$0x0], $0xffff  }
0x8c: {  	_ = 	snop  }
0x8d: {  	[tilespmem:s15+$0xFFFFFFE0] =	vst v3  }
0x8e: {  	[tilespmem:s16+$0xFFFFFFF0] =	vst v6  }
0x8f: {  	[tilespmem:s16+$0x70] =	vst v4  }
0x90: {  	v3 =	vld.idx.msk [tilespmem:v15+s2+$0x0], $0xffff;
	[tilespmem:s16+$0xFFFFFFE0] =	vst v5  }
0x91: {  	v6 =	vld.idx.msk [tilespmem:v14+s2+$0x0], $0xffff;
	[tilespmem:s16+$0xFFFFFFC0] =	vst v9  }
0x92: {  	v9 =	vld.idx.msk [tilespmem:v11+s2+$0x0], $0xffff;
	[tilespmem:s16+$0x30] =	vst v8  }
0x93: {  	v8 =	vld.idx.msk [tilespmem:v13+s2+$0x0], $0xffff;
	[tilespmem:s16+$0xFFFFFF80] =	vst v7  }
0x94: {  	v7 =	vld.idx.msk [tilespmem:v12+s2+$0x0], $0xffff;
	[tilespmem:s16+$0x0] =	vst v10  }
0x95: {  	[tilespmem:s16+$0x10] =	vst v3  }
0x96: {  	[tilespmem:s16+$0x20] =	vst v6  }
0x97: {  	[tilespmem:s16+$0x40] =	vst v9  }
0x98: {  	s22 =	simm.s32 $0x240;
	[tilespmem:s16+$0x50] =	vst v8  }
0x99: {  	s17 =	simm.s32 $0xC0;
	s23 =	simm.s32 $0x0;
	v4 =	vmov s22;
	[tilespmem:s16+$0x60] =	vst v7  }
0x9a: {  	v5 =	vmov s17;
	v4 =	vshrl.u32 v4, $0x7;
	v6 =	vmov s23;
	[hbm4b:s7+s11] =	stream.strided.scatter [tilespmem:s13], [sflag:$0x1], $0x7D00, s12, s11, $0x38;
	[tilespmem:$0x1F400] =	vst v63  }
0x9b: {  	v5 =	vshrl.u32 v5, $0x7;
	v4 =	vshll.u32 v4, v1;
	v6 =	vshrl.u32 v6, $0x7;
	_ =	swait.ge [sflag:s3], $0x7D00  }
0x9c: {  	s21 =	simm.s32 $0x2D0;
	s24 =	simm.s32 $0x180;
	v5 =	vshll.u32 v5, v1;
	v4 =	vbroadcast v4, $0x0;
	v6 =	vshll.u32 v6, v1;
	[sflag:s3] =	ssyncset.done $0x0  }
0x9d: {  	v3 =	vadd.s32 s21, v0;
	v7 =	vmov s24;
	v6 =	vbroadcast v6, $0x0;
	[sflag:s3] =	ssyncadd.s32 $0xFFFF8300  }
0x9e: {  	v5 =	vbroadcast v5, $0x0;
	v4 =	vor.u32 v2, v4;
	v7 =	vshrl.u32 v7, $0x7;
	[tilespmem:s2], [sflag:$0x1] =	stream.strided.gather [hbm4b:s8+s11], $0xBB80, s12, s11, $0x38;
	[tilespmem:$0x1F400] =	vst v63  }
0x9f: {  	v7 =	vshll.u32 v7, v1;
	v6 =	vor.u32 v0, v6;
	_ =	swait.ge [sflag:s3], $0xBB80  }
0xa0: {  	s25 =	simm.s32 $0x30;
	v5 =	vor.u32 v2, v5;
	v7 =	vbroadcast v7, $0x0;
	[sflag:s3] =	ssyncset.done $0x0  }
0xa1: {  	v12 =	vadd.s32 s25, v0;
	[sflag:s3] =	ssyncadd.s32 $0xFFFF4480  }
0xa2: {  	s26 =	simm.s32 $0x60;
	v7 =	vor.u32 v0, v7;
	v3 =	vld.idx.msk [tilespmem:v3+s2+$0x0], $0xffff  }
0xa3: {  	s28 =	simm.s32 $0x90;
	v19 =	vadd.s32 s26, v0;
	v17 =	vld.idx.msk [tilespmem:v4+s2+$0x0], $0xffff  }
0xa4: {  	s15 =	simm.s32 $0x17780;
	s29 =	simm.s32 $0xF0;
	v15 =	vadd.s32 s28, v0;
	v18 =	vld.idx.msk [tilespmem:v6+s2+$0x0], $0xffff  }
0xa5: {  	s19 =	simm.s32 $0x0;
	s18 =	simm.s32 $0x120;
	s20 =	simm.s32 $0x150;
	v11 =	vadd.s32 s29, v0;
	v16 =	vld.idx.msk [tilespmem:v5+s2+$0x0], $0xffff  }
0xa6: {  	s30 =	simm.s32 $0x270;
	v10 =	vadd.s32 s18, v0;
	s21 =	simm.s32 $0x1B0;
	s23 =	simm.s32 $0x210;
	v13 =	vld.idx.msk [tilespmem:v12+s2+$0x0], $0xffff  }
0xa7: {  	s31 =	simm.s32 $0x2A0;
	s22 =	simm.s32 $0x1E0;
	s17 =	simm.s32 $0xBA00;
	v9 =	vadd.s32 s20, v0;
	v8 =	vadd.s32 s21, v0;
	v6 =	vadd.s32 s23, v0;
	v14 =	vld.idx.msk [tilespmem:v7+s2+$0x0], $0xffff  }
0xa8: {  	s18 =	simm.s32 $0x3DF0;
	s20 =	simm.s32 $0x5D0;
	s16 =	simm.s32 $0x1B500;
	v5 =	vadd.s32 s30, v0;
	v4 =	vadd.s32 s31, v0;
	v12 =	vld.idx.msk [tilespmem:v19+s2+$0x0], $0xffff;
	v7 =	vadd.s32 s22, v0  }
.LBB2_6:
0xa9: {  	s21 =	sadd.s32 $0xFFFFFDF0, s20;
	s22 =	sadd.s32 $0xFFFFFF70, s20;
	v19 =	vadd.s32 s20, v0;
	s19 =	sadd.s32 $0x100, s19;
	v15 =	vld.idx.msk [tilespmem:v15+s2+$0x0], $0xffff;
	[tilespmem:s15+$0x40] =	vst v17  }
0xaa: {  	s23 =	sadd.s32 $0xFFFFFD30, s20;
	v17 =	vmov s21;
	s21 =	sadd.s32 $0xFFFFFEB0, s20;
	v20 =	vmov s22;
	p0 =	slt.u32 s19, $0x3D00;
	[tilespmem:s15+$0xFFFFFF80] =	vst v18;
	v11 =	vld.idx.msk [tilespmem:v11+s2+$0x0], $0xffff  }
0xab: {  	s24 =	sadd.s32 $0xFFFFFDC0, s20;
	v18 =	vmov s23;
	s22 =	sadd.s32 $0xFFFFFD60, s20;
	s23 =	sadd.s32 $0xFFFFFD90, s20;
	v21 =	vmov s21;
	v20 =	vshrl.u32 v20, $0x7;
	[tilespmem:s15+$0xFFFFFFC0] =	vst v16;
	v10 =	vld.idx.msk [tilespmem:v10+s2+$0x0], $0xffff  }
0xac: {  	s25 =	sadd.s32 $0xFFFFFE50, s20;
	s26 =	sadd.s32 $0xFFFFFE80, s20;
	v16 =	vshrl.u32 v18, $0x7;
	v17 =	vshrl.u32 v17, $0x7;
	s21 =	sadd.s32 $0xFFFFFE20, s20;
	v18 =	vshll.u32 v20, v1;
	v20 =	vld.idx.msk [tilespmem:v9+s2+$0x0], $0xffff;
	[tilespmem:s15+$0x0] =	vst v14  }
0xad: {  	s28 =	sadd.s32 $0xFFFFFEE0, s20;
	s29 =	sadd.s32 $0xFFFFFF10, s20;
	s30 =	sadd.s32 $0xFFFFFF40, s20;
	v9 =	vshll.u32 v16, v1;
	v14 =	vshrl.u32 v21, $0x7;
	v16 =	vbroadcast v18, $0x0;
	[tilespmem:s15+$0xFFFFFF90] =	vst v13;
	v13 =	vld.idx.msk [tilespmem:v8+s2+$0x0], $0xffff  }
0xae: {  	s31 =	sadd.s32 $0xFFFFFFA0, s20;
	s1 =	sadd.s32 $0xFFFFFFD0, s20;
	v8 =	vbroadcast v9, $0x0;
	v9 =	vshll.u32 v17, v1;
	v14 =	vshll.u32 v14, v1;
	[tilespmem:s15+$0xFFFFFFA0] =	vst v12;
	v12 =	vld.idx.msk [tilespmem:v7+s2+$0x0], $0xffff  }
0xaf: {  	v7 =	vbroadcast v9, $0x0;
	v9 =	vbroadcast v14, $0x0;
	v14 =	vor.u32 v2, v16;
	[tilespmem:s15+$0xFFFFFFB0] =	vst v15;
	v21 =	vld.idx.msk [tilespmem:v6+s2+$0x0], $0xffff  }
0xb0: {  	v22 =	vadd.s32 s22, v0;
	v23 =	vadd.s32 s23, v0;
	v16 =	vor.u32 v0, v8;
	[tilespmem:s15+$0xFFFFFFD0] =	vst v11;
	v24 =	vld.idx.msk [tilespmem:v5+s2+$0x0], $0xffff  }
0xb1: {  	v15 =	vadd.s32 s24, v0;
	v25 =	vor.u32 v2, v7;
	v26 =	vor.u32 v0, v9;
	[tilespmem:s15+$0xFFFFFFE0] =	vst v10;
	v27 =	vld.idx.msk [tilespmem:v4+s2+$0x0], $0xffff  }
0xb2: {  	v11 =	vadd.s32 s21, v0;
	v9 =	vadd.s32 s26, v0;
	v10 =	vadd.s32 s25, v0;
	v19 =	vld.idx.msk [tilespmem:v19+s2+$0x0], $0xffff  }
0xb3: {  	v8 =	vadd.s32 s28, v0;
	v6 =	vadd.s32 s30, v0;
	v7 =	vadd.s32 s29, v0;
	[tilespmem:s15+$0xFFFFFFF0] =	vst v20  }
0xb4: {  	v5 =	vadd.s32 s31, v0;
	v4 =	vadd.s32 s1, v0;
	v17 =	vld.idx.msk [tilespmem:v14+s2+$0x0], $0xffff;
	[tilespmem:s15+$0x10] =	vst v13  }
.Ltmp2:
0xb5: {  	v18 =	vld.idx.msk [tilespmem:v16+s2+$0x0], $0xffff;
	[tilespmem:s15+$0x20] =	vst v12;
	(pc) =	sbr.rel @p0 .LBB2_6-.Ltmp2, $4  }
0xb6: {  	v16 =	vld.idx.msk [tilespmem:v25+s2+$0x0], $0xffff;
	[tilespmem:s15+$0x30] =	vst v21  }
0xb7: {  	v14 =	vld.idx.msk [tilespmem:v26+s2+$0x0], $0xffff;
	[tilespmem:s15+$0x50] =	vst v24  }
0xb8: {  	v13 =	vld.idx.msk [tilespmem:v22+s2+$0x0], $0xffff;
	[tilespmem:s15+$0x60] =	vst v27  }
0xb9: {  	s20 =	sadd.s32 $0x300, s20;
	v12 =	vld.idx.msk [tilespmem:v23+s2+$0x0], $0xffff;
	[tilespmem:s15+$0x70] =	vst v3;
	s15 =	sadd.s32 $0x100, s15;
	v3 =	vmov v19  }
0xba: {  	_ =	sdelay $0x1  }
0xbb: {  	[tilespmem:s15+$0x40] =	vst v17  }
0xbc: {  	[tilespmem:s15+$0xFFFFFF80] =	vst v18  }
0xbd: {  	v15 =	vld.idx.msk [tilespmem:v15+s2+$0x0], $0xffff;
	[tilespmem:s15+$0x70] =	vst v3  }
0xbe: {  	v11 =	vld.idx.msk [tilespmem:v11+s2+$0x0], $0xffff;
	[tilespmem:s15+$0xFFFFFFC0] =	vst v16  }
0xbf: {  	v10 =	vld.idx.msk [tilespmem:v10+s2+$0x0], $0xffff;
	[tilespmem:s15+$0x0] =	vst v14  }
0xc0: {  	v9 =	vld.idx.msk [tilespmem:v9+s2+$0x0], $0xffff;
	[tilespmem:s15+$0xFFFFFF90] =	vst v13  }
0xc1: {  	v8 =	vld.idx.msk [tilespmem:v8+s2+$0x0], $0xffff;
	[tilespmem:s15+$0xFFFFFFA0] =	vst v12  }
0xc2: {  	v7 =	vld.idx.msk [tilespmem:v7+s2+$0x0], $0xffff;
	[tilespmem:s15+$0xFFFFFFB0] =	vst v15  }
0xc3: {  	v6 =	vld.idx.msk [tilespmem:v6+s2+$0x0], $0xffff;
	[tilespmem:s15+$0xFFFFFFD0] =	vst v11  }
0xc4: {  	v5 =	vld.idx.msk [tilespmem:v5+s2+$0x0], $0xffff;
	[tilespmem:s15+$0xFFFFFFE0] =	vst v10  }
0xc5: {  	v4 =	vld.idx.msk [tilespmem:v4+s2+$0x0], $0xffff;
	[tilespmem:s15+$0xFFFFFFF0] =	vst v9  }
0xc6: {  	[tilespmem:s15+$0x10] =	vst v8  }
0xc7: {  	[tilespmem:s15+$0x20] =	vst v7  }
0xc8: {  	[tilespmem:s15+$0x30] =	vst v6  }
0xc9: {  	[tilespmem:s15+$0x50] =	vst v5  }
0xca: {  	[tilespmem:s15+$0x60] =	vst v4  }
.LBB2_8:
0xcb: {  	v3 =	vadd.s32 s17, v0;
	_ =	sdelay $0x3  }
0xcc: {  	s18 =	sadd.s32 $0x10, s18  }
0xcd: {  	p0 =	slt.u32 s18, $0x3E70;
	v3 =	vld.idx.msk [tilespmem:v3+s2+$0x0], $0xffff  }
.Ltmp3:
0xce: {  	_ = 	snop;
	(pc) =	sbr.rel @p0 .LBB2_8-.Ltmp3, $2  }
0xcf: {  	_ =	sdelay $0x2  }
0xd0: {  	s17 =	sadd.s32 $0x30, s17;
	[tilespmem:s16+$0x0] =	vst v3;
	s16 =	sadd.s32 $0x10, s16  }
0xd1: {  	s14 =	sadd.s32 $0x1, s14  }
0xd2: {  	p0 =	sne.s32 s14, s10  }
.Ltmp4:
0xd3: {  	_ = 	snop;
	(pc) =	sbr.rel @p0 .LBB2_1-.Ltmp4, $4  }
0xd4: {  	[hbm4b:s9+s11] =	stream.strided.scatter [tilespmem:s13], [sflag:$0x1], $0x3E80, s12, s11, $0x38;
	[tilespmem:$0x1F400] =	vst v63  }
0xd5: {  	_ =	swait.ge [sflag:s3], $0x3E80  }
0xd6: {  	[sflag:s3] =	ssyncset.done $0x0  }
0xd7: {  	[sflag:s3] =	ssyncadd.s32 $0xFFFFC180  }
0xd8: {  	_ =	sfence.sel $0x180000  }
0xd9: {  	[bflag:$0x0] =	sbarrier.arrive $0xFFFF  }
0xda: {  	_ =	strace $0x90000047  }
0xdb: {  	[bflag:$0x2] =	sbarrier.arrive $0xFFFF  }
0xdc: {  	p0 =	sne.s32 s0, $0x0;
	s0 =	rddreg [dreg:$0x2]  }
0xdd: {  	s0 =	sadd.s32 @!p0 $0x100000, s0  }
0xde: {  	[sflag:s0] =	ssyncadd.tile.s32 @!p0 $0x1;
	_ =	shalt  }
.Lfunc_end2:
_tile_overlayer_lowered:
.L_overlay_start_2:
0xdf: {  	(tag) =	ssettag $0x2  }
0xe0: {  	s0 =	rddreg [dreg:$0x0];
	s2 =	stileid.u32  }
0xe1: {  	s1 =	rddreg [dreg:$0x1];
	p0 =	sne.s32 s2, $0x0  }
0xe2: {  	s3 =	rddreg [dreg:$0x2];
	[bflag:$0x3] =	sbarrier.arrive $0xFFFF;
	s2 =	simm.s32 @!p0 $0x1C01  }
0xe3: {  	[timem:s3], [sflag:s2] =	dma.local @!p0 [hbm:s0], s1  }
0xe4: {  	s0 =	simm.s32 @!p0 $0x1  }
0xe5: {  	_ =	swait.ge @!p0 [sflag:s0], s1  }
0xe6: {  	s1 =	ssub.s32 @!p0 $0x0, s1;
	[sflag:s0] =	ssyncset.done @!p0 $0x0  }
0xe7: {  	[sflag:s0] =	ssyncadd.s32 @!p0 s1  }
0xe8: {  	[bflag:$0x3] =	sbarrier.arrive $0xFFFF  }
0xe9: {  	_ =	shalt  }

</sc_bundles>
